<compile_context>
chip_gen: v7x
topology: tpu7x:2x2x1
jax: 0.10.2.dev20260603
libtpu: 0.0.44.dev20260713+nightly
codegen_flags: <defaults>
</compile_context>

<pallas_src>
import functools

import jax
import jax.numpy as jnp
from jax import lax
from jax.experimental import pallas as pl
from jax.experimental.pallas import tpu as pltpu
from jax.experimental.pallas import tpu_sc as plsc

EMBED_DIM = 64
SEQ = 200
BATCH = 4096
NUM_WORKERS = 32
ROWS_PER_W = BATCH // NUM_WORKERS
LANES = 16
DCH = EMBED_DIM // LANES
CHUNK0 = 128
CHUNK1 = SEQ - CHUNK0


NBUF = 4


def _sc_pool(text, table):
    mesh = plsc.VectorSubcoreMesh(core_axis_name="c", subcore_axis_name="s")

    @functools.partial(
        pl.kernel,
        out_type=jax.ShapeDtypeStruct((BATCH, EMBED_DIM), jnp.float32),
        mesh=mesh,
        compiler_params=pltpu.CompilerParams(use_tc_tiling_on_sc=False),
        scratch_types=[
            pltpu.VMEM((ROWS_PER_W, SEQ), jnp.int32),
            pltpu.VMEM((NBUF, SEQ, EMBED_DIM), jnp.float32),
            pltpu.VMEM((ROWS_PER_W, EMBED_DIM), jnp.float32),
            [pltpu.SemaphoreType.DMA] * NBUF,
        ],
    )
    def k(text_hbm, table_hbm, out_hbm, idx_v, rows_v, out_v, sems):
        wid = lax.axis_index("s") * 2 + lax.axis_index("c")
        base = wid * ROWS_PER_W
        pltpu.sync_copy(text_hbm.at[pl.ds(base, ROWS_PER_W)], idx_v)

        scale = jnp.float32(1.0 / SEQ)

        def fire(r, s):
            pltpu.async_copy(
                table_hbm.at[idx_v.at[r, pl.ds(0, CHUNK0)]],
                rows_v.at[s, pl.ds(0, CHUNK0)], sems[s])
            pltpu.async_copy(
                table_hbm.at[idx_v.at[r, pl.ds(CHUNK0, CHUNK1)]],
                rows_v.at[s, pl.ds(CHUNK0, CHUNK1)], sems[s])

        def drain(s):
            pltpu.make_async_copy(
                table_hbm.at[pl.ds(0, SEQ)], rows_v.at[s], sems[s]).wait()

        def reduce_slot(s, r):
            def seq_body(j, acc):
                return tuple(
                    acc[k_] + rows_v[s, j, pl.ds(k_ * LANES, LANES)]
                    for k_ in range(DCH))

            zeros = tuple(jnp.zeros((LANES,), jnp.float32) for _ in range(DCH))
            acc = lax.fori_loop(0, SEQ, seq_body, zeros, unroll=2)
            for k_ in range(DCH):
                out_v[r, pl.ds(k_ * LANES, LANES)] = acc[k_] * scale

        for s in range(NBUF):
            fire(s, s)

        def group_body(g, _):
            rg = g * NBUF
            for s in range(NBUF):
                drain(s)
                reduce_slot(s, rg + s)
                fire(rg + s + NBUF, s)
            return 0

        lax.fori_loop(0, ROWS_PER_W // NBUF - 1, group_body, 0)
        rg = ROWS_PER_W - NBUF
        for s in range(NBUF):
            drain(s)
            reduce_slot(s, rg + s)

        pltpu.sync_copy(out_v, out_hbm.at[pl.ds(base, ROWS_PER_W)])

    return k(text, table)


def _tc_head(pooled, W, b):

    def body(p_ref, w_ref, b_ref, o_ref):
        p = p_ref[...]
        w = w_ref[...]
        logits = lax.dot_general(
            p, w, dimension_numbers=(((1,), (1,)), ((), ())),
            preferred_element_type=jnp.float32)
        logits = logits + b_ref[...]
        m = jnp.max(logits, axis=1, keepdims=True)
        lse = m + jnp.log(jnp.sum(jnp.exp(logits - m), axis=1, keepdims=True))
        o_ref[...] = logits - lse

    return pl.pallas_call(
        body,
        out_shape=jax.ShapeDtypeStruct((BATCH, 2), jnp.float32),
    )(pooled, W, b.reshape(1, 2))


def kernel(text, table, W, b):
    pooled = _sc_pool(text.astype(jnp.int32), table)
    return _tc_head(pooled, W, b)

# --- scband reference (transcript-rebuilt; emitter-appended) ---
"""Pipeline reference for scband-rnn-imdb-10453950398523 (READ-ONLY COPY).

The authoritative reference and input builder live on the scoring server;
editing this copy changes nothing except your own understanding.
"""

import jax, jax.numpy as jnp
import numpy as np

EMBED_NUM = 1000000
EMBED_DIM = 64
CLASS_NUM = 2
PAD_IDX = 0
BATCH = 4096
SEQ = 200

def setup_inputs(seed: int = 0) -> dict:
    key = jax.random.key(seed)
    k1, k2, k3 = jax.random.split(key, 3)
    text = jax.random.randint(k1, (BATCH, SEQ), 0, EMBED_NUM, dtype=jnp.int64 if jax.config.jax_enable_x64 else jnp.int32)
    table = jax.random.normal(k2, (EMBED_NUM, EMBED_DIM), dtype=jnp.float32) * 0.02
    table = table.at[PAD_IDX].set(0.0)  # padding_idx row is zero in torch nn.Embedding
    W = jax.random.normal(k3, (CLASS_NUM, EMBED_DIM), dtype=jnp.float32) * 0.1
    b = jnp.zeros((CLASS_NUM,), dtype=jnp.float32)
    return {"text": text, "table": table, "W": W, "b": b}

def reference(text, table, W, b):
    # embedding gather: [B, L, D]
    embedded = jnp.take(table, text, axis=0)
    # F.avg_pool2d(embedded, (L, 1)).squeeze(1) == mean over sequence dim
    pooled = jnp.mean(embedded, axis=1)
    # linear + log_softmax
    logits = pooled @ W.T + b
    return jax.nn.log_softmax(logits, axis=1)

if __name__ == "__main__":
    import jax
    _d = setup_inputs()
    print(jax.jit(kernel)(*tuple(_d.values())))

</pallas_src>

<mosaic_0001>
#map = affine_map<(d0, d1) -> (0, 0)>
module attributes {stable_mosaic.version = 14 : i64} {
  func.func @k(%arg0: i32, %arg1: i32, %arg2: memref<4096x200xi32, #tpu.memory_space<hbm>>, %arg3: memref<1000000x64xf32, #tpu.memory_space<hbm>>, %arg4: memref<4096x64xf32, #tpu.memory_space<hbm>>, %arg5: memref<128x200xi32, #tpu.memory_space<vmem>>, %arg6: memref<4x200x64xf32, #tpu.memory_space<vmem>>, %arg7: memref<128x64xf32, #tpu.memory_space<vmem>>, %arg8: memref<!tpu.dma_semaphore, #tpu.memory_space<semaphore_mem>>, %arg9: memref<!tpu.dma_semaphore, #tpu.memory_space<semaphore_mem>>, %arg10: memref<!tpu.dma_semaphore, #tpu.memory_space<semaphore_mem>>, %arg11: memref<!tpu.dma_semaphore, #tpu.memory_space<semaphore_mem>>) attributes {dimension_semantics = [#tpu.dimension_semantics<core_parallel>, #tpu.dimension_semantics<subcore_parallel>], iteration_bounds = array<i64: 2, 16>, scalar_prefetch = 0 : i64, scratch_operands = 7 : i64, tpu.core_type = #tpu.core_type<sc_vector_subcore>, window_params = [{transform_indices = #map}, {transform_indices = #map}, {transform_indices = #map}]} {
    %mul3A = arith.constant 2 : i32
    %mul3A_0 = arith.muli %arg1, %mul3A : i32
    %add3A = arith.addi %mul3A_0, %arg0 : i32
    %mul3A_1 = arith.constant 128 : i32
    %mul3A_2 = arith.muli %add3A, %mul3A_1 : i32
    "tpu.region"() ({
      %run_scoped3A = tpu.sem_alloc : memref<!tpu.dma_semaphore, #tpu.memory_space<semaphore_mem>>
      %dma_start3A_362 = arith.constant 0 : i32
      %dma_start3A_363 = tpu.memref_slice %arg2[%mul3A_2, %dma_start3A_362] : memref<4096x200xi32, #tpu.memory_space<hbm>> -> memref<128x200xi32, #tpu.memory_space<hbm>>
      %dma_start3A_364 = arith.constant 0 : i32
      %dma_start3A_365 = tpu.memref_slice %arg2[%mul3A_2, %dma_start3A_364] : memref<4096x200xi32, #tpu.memory_space<hbm>> -> memref<128x200xi32, #tpu.memory_space<hbm>>
      tpu.enqueue_dma source(%dma_start3A_365 : memref<128x200xi32, #tpu.memory_space<hbm>>) target(%arg5 : memref<128x200xi32, #tpu.memory_space<vmem>>) target_semaphore(%run_scoped3A : memref<!tpu.dma_semaphore, #tpu.memory_space<semaphore_mem>>)
      %dma_wait3A_366 = arith.constant 0 : i32
      %dma_wait3A_367 = tpu.memref_slice %arg2[%mul3A_2, %dma_wait3A_366] : memref<4096x200xi32, #tpu.memory_space<hbm>> -> memref<128x200xi32, #tpu.memory_space<hbm>>
      %dma_wait3A_368 = arith.constant 0 : i32
      %dma_wait3A_369 = tpu.memref_slice %arg2[%mul3A_2, %dma_wait3A_368] : memref<4096x200xi32, #tpu.memory_space<hbm>> -> memref<128x200xi32, #tpu.memory_space<hbm>>
      tpu.wait_dma2 semaphore(%run_scoped3A : memref<!tpu.dma_semaphore, #tpu.memory_space<semaphore_mem>>) src(%dma_wait3A_369 : memref<128x200xi32, #tpu.memory_space<hbm>>) dst(%arg5 : memref<128x200xi32, #tpu.memory_space<vmem>>)
      tpu.yield
    }) : () -> ()
    %dma_start3A = arith.constant 0 : i32
    %dma_start3A_3 = arith.constant 0 : i32
    %dma_start3A_4 = arith.constant 0 : i32
    %dma_start3A_5 = arith.constant 0 : i32
    %dma_start3A_6 = tpu.memref_slice %arg6[%dma_start3A_3, %dma_start3A_4, %dma_start3A_5] : memref<4x200x64xf32, #tpu.memory_space<vmem>> -> memref<1x128x64xf32, #tpu.memory_space<vmem>>
    %dma_start3A_7 = tpu.memref_squeeze %dma_start3A_6 : memref<1x128x64xf32, #tpu.memory_space<vmem>> -> memref<128x64xf32, #tpu.memory_space<vmem>>
    %dma_start3A_8 = arith.constant 0 : i32
    %dma_start3A_9 = tpu.memref_slice %arg5[%dma_start3A, %dma_start3A_8] : memref<128x200xi32, #tpu.memory_space<vmem>> -> memref<1x128xi32, #tpu.memory_space<vmem>>
    %dma_start3A_10 = tpu.memref_squeeze %dma_start3A_9 : memref<1x128xi32, #tpu.memory_space<vmem>> -> memref<128xi32, #tpu.memory_space<vmem>>
    %dma_start3A_11 = arith.constant 0 : i32
    %dma_start3A_12 = arith.constant 0 : i32
    %dma_start3A_13 = tpu.memref_slice %arg3[%dma_start3A_11, %dma_start3A_12] : memref<1000000x64xf32, #tpu.memory_space<hbm>> -> memref<1000000x64xf32, #tpu.memory_space<hbm>>
    tpu.enqueue_indirect_dma source(%dma_start3A_13 : memref<1000000x64xf32, #tpu.memory_space<hbm>>) target(%dma_start3A_7 : memref<128x64xf32, #tpu.memory_space<vmem>>) offsets(%dma_start3A_10 : memref<128xi32, #tpu.memory_space<vmem>>) semaphore(%arg8 : memref<!tpu.dma_semaphore, #tpu.memory_space<semaphore_mem>>)
    %dma_start3A_14 = arith.constant 0 : i32
    %dma_start3A_15 = arith.constant 0 : i32
    %dma_start3A_16 = arith.constant 128 : i32
    %dma_start3A_17 = arith.constant 0 : i32
    %dma_start3A_18 = tpu.memref_slice %arg6[%dma_start3A_15, %dma_start3A_16, %dma_start3A_17] : memref<4x200x64xf32, #tpu.memory_space<vmem>> -> memref<1x72x64xf32, #tpu.memory_space<vmem>>
    %dma_start3A_19 = tpu.memref_squeeze %dma_start3A_18 : memref<1x72x64xf32, #tpu.memory_space<vmem>> -> memref<72x64xf32, #tpu.memory_space<vmem>>
    %dma_start3A_20 = arith.constant 128 : i32
    %dma_start3A_21 = tpu.memref_slice %arg5[%dma_start3A_14, %dma_start3A_20] : memref<128x200xi32, #tpu.memory_space<vmem>> -> memref<1x72xi32, #tpu.memory_space<vmem>>
    %dma_start3A_22 = tpu.memref_squeeze %dma_start3A_21 : memref<1x72xi32, #tpu.memory_space<vmem>> -> memref<72xi32, #tpu.memory_space<vmem>>
    %dma_start3A_23 = arith.constant 0 : i32
    %dma_start3A_24 = arith.constant 0 : i32
    %dma_start3A_25 = tpu.memref_slice %arg3[%dma_start3A_23, %dma_start3A_24] : memref<1000000x64xf32, #tpu.memory_space<hbm>> -> memref<1000000x64xf32, #tpu.memory_space<hbm>>
    tpu.enqueue_indirect_dma source(%dma_start3A_25 : memref<1000000x64xf32, #tpu.memory_space<hbm>>) target(%dma_start3A_19 : memref<72x64xf32, #tpu.memory_space<vmem>>) offsets(%dma_start3A_22 : memref<72xi32, #tpu.memory_space<vmem>>) semaphore(%arg8 : memref<!tpu.dma_semaphore, #tpu.memory_space<semaphore_mem>>)
    %dma_start3A_26 = arith.constant 1 : i32
    %dma_start3A_27 = arith.constant 1 : i32
    %dma_start3A_28 = arith.constant 0 : i32
    %dma_start3A_29 = arith.constant 0 : i32
    %dma_start3A_30 = tpu.memref_slice %arg6[%dma_start3A_27, %dma_start3A_28, %dma_start3A_29] : memref<4x200x64xf32, #tpu.memory_space<vmem>> -> memref<1x128x64xf32, #tpu.memory_space<vmem>>
    %dma_start3A_31 = tpu.memref_squeeze %dma_start3A_30 : memref<1x128x64xf32, #tpu.memory_space<vmem>> -> memref<128x64xf32, #tpu.memory_space<vmem>>
    %dma_start3A_32 = arith.constant 0 : i32
    %dma_start3A_33 = tpu.memref_slice %arg5[%dma_start3A_26, %dma_start3A_32] : memref<128x200xi32, #tpu.memory_space<vmem>> -> memref<1x128xi32, #tpu.memory_space<vmem>>
    %dma_start3A_34 = tpu.memref_squeeze %dma_start3A_33 : memref<1x128xi32, #tpu.memory_space<vmem>> -> memref<128xi32, #tpu.memory_space<vmem>>
    %dma_start3A_35 = arith.constant 0 : i32
    %dma_start3A_36 = arith.constant 0 : i32
    %dma_start3A_37 = tpu.memref_slice %arg3[%dma_start3A_35, %dma_start3A_36] : memref<1000000x64xf32, #tpu.memory_space<hbm>> -> memref<1000000x64xf32, #tpu.memory_space<hbm>>
    tpu.enqueue_indirect_dma source(%dma_start3A_37 : memref<1000000x64xf32, #tpu.memory_space<hbm>>) target(%dma_start3A_31 : memref<128x64xf32, #tpu.memory_space<vmem>>) offsets(%dma_start3A_34 : memref<128xi32, #tpu.memory_space<vmem>>) semaphore(%arg9 : memref<!tpu.dma_semaphore, #tpu.memory_space<semaphore_mem>>)
    %dma_start3A_38 = arith.constant 1 : i32
    %dma_start3A_39 = arith.constant 1 : i32
    %dma_start3A_40 = arith.constant 128 : i32
    %dma_start3A_41 = arith.constant 0 : i32
    %dma_start3A_42 = tpu.memref_slice %arg6[%dma_start3A_39, %dma_start3A_40, %dma_start3A_41] : memref<4x200x64xf32, #tpu.memory_space<vmem>> -> memref<1x72x64xf32, #tpu.memory_space<vmem>>
    %dma_start3A_43 = tpu.memref_squeeze %dma_start3A_42 : memref<1x72x64xf32, #tpu.memory_space<vmem>> -> memref<72x64xf32, #tpu.memory_space<vmem>>
    %dma_start3A_44 = arith.constant 128 : i32
    %dma_start3A_45 = tpu.memref_slice %arg5[%dma_start3A_38, %dma_start3A_44] : memref<128x200xi32, #tpu.memory_space<vmem>> -> memref<1x72xi32, #tpu.memory_space<vmem>>
    %dma_start3A_46 = tpu.memref_squeeze %dma_start3A_45 : memref<1x72xi32, #tpu.memory_space<vmem>> -> memref<72xi32, #tpu.memory_space<vmem>>
    %dma_start3A_47 = arith.constant 0 : i32
    %dma_start3A_48 = arith.constant 0 : i32
    %dma_start3A_49 = tpu.memref_slice %arg3[%dma_start3A_47, %dma_start3A_48] : memref<1000000x64xf32, #tpu.memory_space<hbm>> -> memref<1000000x64xf32, #tpu.memory_space<hbm>>
    tpu.enqueue_indirect_dma source(%dma_start3A_49 : memref<1000000x64xf32, #tpu.memory_space<hbm>>) target(%dma_start3A_43 : memref<72x64xf32, #tpu.memory_space<vmem>>) offsets(%dma_start3A_46 : memref<72xi32, #tpu.memory_space<vmem>>) semaphore(%arg9 : memref<!tpu.dma_semaphore, #tpu.memory_space<semaphore_mem>>)
    %dma_start3A_50 = arith.constant 2 : i32
    %dma_start3A_51 = arith.constant 2 : i32
    %dma_start3A_52 = arith.constant 0 : i32
    %dma_start3A_53 = arith.constant 0 : i32
    %dma_start3A_54 = tpu.memref_slice %arg6[%dma_start3A_51, %dma_start3A_52, %dma_start3A_53] : memref<4x200x64xf32, #tpu.memory_space<vmem>> -> memref<1x128x64xf32, #tpu.memory_space<vmem>>
    %dma_start3A_55 = tpu.memref_squeeze %dma_start3A_54 : memref<1x128x64xf32, #tpu.memory_space<vmem>> -> memref<128x64xf32, #tpu.memory_space<vmem>>
    %dma_start3A_56 = arith.constant 0 : i32
    %dma_start3A_57 = tpu.memref_slice %arg5[%dma_start3A_50, %dma_start3A_56] : memref<128x200xi32, #tpu.memory_space<vmem>> -> memref<1x128xi32, #tpu.memory_space<vmem>>
    %dma_start3A_58 = tpu.memref_squeeze %dma_start3A_57 : memref<1x128xi32, #tpu.memory_space<vmem>> -> memref<128xi32, #tpu.memory_space<vmem>>
    %dma_start3A_59 = arith.constant 0 : i32
    %dma_start3A_60 = arith.constant 0 : i32
    %dma_start3A_61 = tpu.memref_slice %arg3[%dma_start3A_59, %dma_start3A_60] : memref<1000000x64xf32, #tpu.memory_space<hbm>> -> memref<1000000x64xf32, #tpu.memory_space<hbm>>
    tpu.enqueue_indirect_dma source(%dma_start3A_61 : memref<1000000x64xf32, #tpu.memory_space<hbm>>) target(%dma_start3A_55 : memref<128x64xf32, #tpu.memory_space<vmem>>) offsets(%dma_start3A_58 : memref<128xi32, #tpu.memory_space<vmem>>) semaphore(%arg10 : memref<!tpu.dma_semaphore, #tpu.memory_space<semaphore_mem>>)
    %dma_start3A_62 = arith.constant 2 : i32
    %dma_start3A_63 = arith.constant 2 : i32
    %dma_start3A_64 = arith.constant 128 : i32
    %dma_start3A_65 = arith.constant 0 : i32
    %dma_start3A_66 = tpu.memref_slice %arg6[%dma_start3A_63, %dma_start3A_64, %dma_start3A_65] : memref<4x200x64xf32, #tpu.memory_space<vmem>> -> memref<1x72x64xf32, #tpu.memory_space<vmem>>
    %dma_start3A_67 = tpu.memref_squeeze %dma_start3A_66 : memref<1x72x64xf32, #tpu.memory_space<vmem>> -> memref<72x64xf32, #tpu.memory_space<vmem>>
    %dma_start3A_68 = arith.constant 128 : i32
    %dma_start3A_69 = tpu.memref_slice %arg5[%dma_start3A_62, %dma_start3A_68] : memref<128x200xi32, #tpu.memory_space<vmem>> -> memref<1x72xi32, #tpu.memory_space<vmem>>
    %dma_start3A_70 = tpu.memref_squeeze %dma_start3A_69 : memref<1x72xi32, #tpu.memory_space<vmem>> -> memref<72xi32, #tpu.memory_space<vmem>>
    %dma_start3A_71 = arith.constant 0 : i32
    %dma_start3A_72 = arith.constant 0 : i32
    %dma_start3A_73 = tpu.memref_slice %arg3[%dma_start3A_71, %dma_start3A_72] : memref<1000000x64xf32, #tpu.memory_space<hbm>> -> memref<1000000x64xf32, #tpu.memory_space<hbm>>
    tpu.enqueue_indirect_dma source(%dma_start3A_73 : memref<1000000x64xf32, #tpu.memory_space<hbm>>) target(%dma_start3A_67 : memref<72x64xf32, #tpu.memory_space<vmem>>) offsets(%dma_start3A_70 : memref<72xi32, #tpu.memory_space<vmem>>) semaphore(%arg10 : memref<!tpu.dma_semaphore, #tpu.memory_space<semaphore_mem>>)
    %dma_start3A_74 = arith.constant 3 : i32
    %dma_start3A_75 = arith.constant 3 : i32
    %dma_start3A_76 = arith.constant 0 : i32
    %dma_start3A_77 = arith.constant 0 : i32
    %dma_start3A_78 = tpu.memref_slice %arg6[%dma_start3A_75, %dma_start3A_76, %dma_start3A_77] : memref<4x200x64xf32, #tpu.memory_space<vmem>> -> memref<1x128x64xf32, #tpu.memory_space<vmem>>
    %dma_start3A_79 = tpu.memref_squeeze %dma_start3A_78 : memref<1x128x64xf32, #tpu.memory_space<vmem>> -> memref<128x64xf32, #tpu.memory_space<vmem>>
    %dma_start3A_80 = arith.constant 0 : i32
    %dma_start3A_81 = tpu.memref_slice %arg5[%dma_start3A_74, %dma_start3A_80] : memref<128x200xi32, #tpu.memory_space<vmem>> -> memref<1x128xi32, #tpu.memory_space<vmem>>
    %dma_start3A_82 = tpu.memref_squeeze %dma_start3A_81 : memref<1x128xi32, #tpu.memory_space<vmem>> -> memref<128xi32, #tpu.memory_space<vmem>>
    %dma_start3A_83 = arith.constant 0 : i32
    %dma_start3A_84 = arith.constant 0 : i32
    %dma_start3A_85 = tpu.memref_slice %arg3[%dma_start3A_83, %dma_start3A_84] : memref<1000000x64xf32, #tpu.memory_space<hbm>> -> memref<1000000x64xf32, #tpu.memory_space<hbm>>
    tpu.enqueue_indirect_dma source(%dma_start3A_85 : memref<1000000x64xf32, #tpu.memory_space<hbm>>) target(%dma_start3A_79 : memref<128x64xf32, #tpu.memory_space<vmem>>) offsets(%dma_start3A_82 : memref<128xi32, #tpu.memory_space<vmem>>) semaphore(%arg11 : memref<!tpu.dma_semaphore, #tpu.memory_space<semaphore_mem>>)
    %dma_start3A_86 = arith.constant 3 : i32
    %dma_start3A_87 = arith.constant 3 : i32
    %dma_start3A_88 = arith.constant 128 : i32
    %dma_start3A_89 = arith.constant 0 : i32
    %dma_start3A_90 = tpu.memref_slice %arg6[%dma_start3A_87, %dma_start3A_88, %dma_start3A_89] : memref<4x200x64xf32, #tpu.memory_space<vmem>> -> memref<1x72x64xf32, #tpu.memory_space<vmem>>
    %dma_start3A_91 = tpu.memref_squeeze %dma_start3A_90 : memref<1x72x64xf32, #tpu.memory_space<vmem>> -> memref<72x64xf32, #tpu.memory_space<vmem>>
    %dma_start3A_92 = arith.constant 128 : i32
    %dma_start3A_93 = tpu.memref_slice %arg5[%dma_start3A_86, %dma_start3A_92] : memref<128x200xi32, #tpu.memory_space<vmem>> -> memref<1x72xi32, #tpu.memory_space<vmem>>
    %dma_start3A_94 = tpu.memref_squeeze %dma_start3A_93 : memref<1x72xi32, #tpu.memory_space<vmem>> -> memref<72xi32, #tpu.memory_space<vmem>>
    %dma_start3A_95 = arith.constant 0 : i32
    %dma_start3A_96 = arith.constant 0 : i32
    %dma_start3A_97 = tpu.memref_slice %arg3[%dma_start3A_95, %dma_start3A_96] : memref<1000000x64xf32, #tpu.memory_space<hbm>> -> memref<1000000x64xf32, #tpu.memory_space<hbm>>
    tpu.enqueue_indirect_dma source(%dma_start3A_97 : memref<1000000x64xf32, #tpu.memory_space<hbm>>) target(%dma_start3A_91 : memref<72x64xf32, #tpu.memory_space<vmem>>) offsets(%dma_start3A_94 : memref<72xi32, #tpu.memory_space<vmem>>) semaphore(%arg11 : memref<!tpu.dma_semaphore, #tpu.memory_space<semaphore_mem>>)
    %scan3A = arith.constant 5.000000e-03 : f32
    %scan3A_98 = arith.constant 0 : i32
    %scan3A_99 = arith.constant 0 : i32
    %scan3A_100 = arith.constant 31 : i32
    %scan3A_101 = arith.addi %scan3A_99, %scan3A_100 : i32
    %scan3A_102 = arith.constant 1 : i32
    %scan3A_103 = scf.for %scan3A_362 = %scan3A_99 to %scan3A_101 step %scan3A_102 iter_args(%scan3A_363 = %scan3A_98) -> (i32)  : i32 {
      %mul3A_364 = arith.constant 4 : i32
      %mul3A_365 = arith.muli %scan3A_362, %mul3A_364 : i32
      %dma_wait3A_366 = arith.constant 0 : i32
      %dma_wait3A_367 = arith.constant 0 : i32
      %dma_wait3A_368 = arith.constant 0 : i32
      %dma_wait3A_369 = tpu.memref_slice %arg6[%dma_wait3A_366, %dma_wait3A_367, %dma_wait3A_368] : memref<4x200x64xf32, #tpu.memory_space<vmem>> -> memref<1x200x64xf32, #tpu.memory_space<vmem>>
      %dma_wait3A_370 = tpu.memref_squeeze %dma_wait3A_369 : memref<1x200x64xf32, #tpu.memory_space<vmem>> -> memref<200x64xf32, #tpu.memory_space<vmem>>
      %dma_wait3A_371 = arith.constant 0 : i32
      %dma_wait3A_372 = arith.constant 0 : i32
      %dma_wait3A_373 = tpu.memref_slice %arg3[%dma_wait3A_371, %dma_wait3A_372] : memref<1000000x64xf32, #tpu.memory_space<hbm>> -> memref<200x64xf32, #tpu.memory_space<hbm>>
      %dma_wait3A_374 = arith.constant 0 : i32
      %dma_wait3A_375 = arith.constant 0 : i32
      %dma_wait3A_376 = tpu.memref_slice %arg6[%dma_wait3A_366, %dma_wait3A_374, %dma_wait3A_375] : memref<4x200x64xf32, #tpu.memory_space<vmem>> -> memref<1x200x64xf32, #tpu.memory_space<vmem>>
      %dma_wait3A_377 = tpu.memref_squeeze %dma_wait3A_376 : memref<1x200x64xf32, #tpu.memory_space<vmem>> -> memref<200x64xf32, #tpu.memory_space<vmem>>
      %dma_wait3A_378 = arith.constant 0 : i32
      %dma_wait3A_379 = arith.constant 0 : i32
      %dma_wait3A_380 = tpu.memref_slice %arg3[%dma_wait3A_378, %dma_wait3A_379] : memref<1000000x64xf32, #tpu.memory_space<hbm>> -> memref<200x64xf32, #tpu.memory_space<hbm>>
      tpu.wait_dma2 semaphore(%arg8 : memref<!tpu.dma_semaphore, #tpu.memory_space<semaphore_mem>>) src(%dma_wait3A_380 : memref<200x64xf32, #tpu.memory_space<hbm>>) dst(%dma_wait3A_377 : memref<200x64xf32, #tpu.memory_space<vmem>>)
      %add3A_381 = arith.constant 0 : i32
      %add3A_382 = arith.addi %mul3A_365, %add3A_381 : i32
      %broadcast_in_dim3A_383 = arith.constant 0.000000e+00 : f32
      %broadcast_in_dim3A_384 = vector.broadcast %broadcast_in_dim3A_383 : f32 to vector<16xf32>
      %broadcast_in_dim3A_385 = arith.constant 0.000000e+00 : f32
      %broadcast_in_dim3A_386 = vector.broadcast %broadcast_in_dim3A_385 : f32 to vector<16xf32>
      %broadcast_in_dim3A_387 = arith.constant 0.000000e+00 : f32
      %broadcast_in_dim3A_388 = vector.broadcast %broadcast_in_dim3A_387 : f32 to vector<16xf32>
      %broadcast_in_dim3A_389 = arith.constant 0.000000e+00 : f32
      %broadcast_in_dim3A_390 = vector.broadcast %broadcast_in_dim3A_389 : f32 to vector<16xf32>
      %scan3A_391 = arith.constant 0 : i32
      %scan3A_392 = arith.constant 200 : i32
      %scan3A_393 = arith.addi %scan3A_391, %scan3A_392 : i32
      %scan3A_394 = arith.constant 2 : i32
      %scan3A_395:4 = scf.for %scan3A_707 = %scan3A_391 to %scan3A_393 step %scan3A_394 iter_args(%scan3A_708 = %broadcast_in_dim3A_384, %scan3A_709 = %broadcast_in_dim3A_386, %scan3A_710 = %broadcast_in_dim3A_388, %scan3A_711 = %broadcast_in_dim3A_390) -> (vector<16xf32>, vector<16xf32>, vector<16xf32>, vector<16xf32>)  : i32 {
        %get3A = arith.constant 0 : i32
        %get3A_712 = arith.index_cast %get3A : i32 to index
        %get3A_713 = arith.index_cast %scan3A_707 : i32 to index
        %get3A_714 = arith.constant 0 : index
        %get3A_715 = tpu.vector_load %arg6[%get3A_712, %get3A_713, %get3A_714] {strides = array<i32>} : memref<4x200x64xf32, #tpu.memory_space<vmem>>, vector<1x1x16xf32>,
        %get3A_716 = vector.shape_cast %get3A_715 : vector<1x1x16xf32> to vector<16xf32>
        %add3A_717 = arith.addf %scan3A_708, %get3A_716 : vector<16xf32>
        %get3A_718 = arith.constant 0 : i32
        %get3A_719 = arith.index_cast %get3A_718 : i32 to index
        %get3A_720 = arith.index_cast %scan3A_707 : i32 to index
        %get3A_721 = arith.constant 16 : index
        %get3A_722 = tpu.vector_load %arg6[%get3A_719, %get3A_720, %get3A_721] {strides = array<i32>} : memref<4x200x64xf32, #tpu.memory_space<vmem>>, vector<1x1x16xf32>,
        %get3A_723 = vector.shape_cast %get3A_722 : vector<1x1x16xf32> to vector<16xf32>
        %add3A_724 = arith.addf %scan3A_709, %get3A_723 : vector<16xf32>
        %get3A_725 = arith.constant 0 : i32
        %get3A_726 = arith.index_cast %get3A_725 : i32 to index
        %get3A_727 = arith.index_cast %scan3A_707 : i32 to index
        %get3A_728 = arith.constant 32 : index
        %get3A_729 = tpu.vector_load %arg6[%get3A_726, %get3A_727, %get3A_728] {strides = array<i32>} : memref<4x200x64xf32, #tpu.memory_space<vmem>>, vector<1x1x16xf32>,
        %get3A_730 = vector.shape_cast %get3A_729 : vector<1x1x16xf32> to vector<16xf32>
        %add3A_731 = arith.addf %scan3A_710, %get3A_730 : vector<16xf32>
        %get3A_732 = arith.constant 0 : i32
        %get3A_733 = arith.index_cast %get3A_732 : i32 to index
        %get3A_734 = arith.index_cast %scan3A_707 : i32 to index
        %get3A_735 = arith.constant 48 : index
        %get3A_736 = tpu.vector_load %arg6[%get3A_733, %get3A_734, %get3A_735] {strides = array<i32>} : memref<4x200x64xf32, #tpu.memory_space<vmem>>, vector<1x1x16xf32>,
        %get3A_737 = vector.shape_cast %get3A_736 : vector<1x1x16xf32> to vector<16xf32>
        %add3A_738 = arith.addf %scan3A_711, %get3A_737 : vector<16xf32>
        %scan3A_739 = arith.constant 1 : i32
        %scan3A_740 = arith.addi %scan3A_707, %scan3A_739 : i32
        %get3A_741 = arith.constant 0 : i32
        %get3A_742 = arith.index_cast %get3A_741 : i32 to index
        %get3A_743 = arith.index_cast %scan3A_740 : i32 to index
        %get3A_744 = arith.constant 0 : index
        %get3A_745 = tpu.vector_load %arg6[%get3A_742, %get3A_743, %get3A_744] {strides = array<i32>} : memref<4x200x64xf32, #tpu.memory_space<vmem>>, vector<1x1x16xf32>,
        %get3A_746 = vector.shape_cast %get3A_745 : vector<1x1x16xf32> to vector<16xf32>
        %add3A_747 = arith.addf %add3A_717, %get3A_746 : vector<16xf32>
        %get3A_748 = arith.constant 0 : i32
        %get3A_749 = arith.index_cast %get3A_748 : i32 to index
        %get3A_750 = arith.index_cast %scan3A_740 : i32 to index
        %get3A_751 = arith.constant 16 : index
        %get3A_752 = tpu.vector_load %arg6[%get3A_749, %get3A_750, %get3A_751] {strides = array<i32>} : memref<4x200x64xf32, #tpu.memory_space<vmem>>, vector<1x1x16xf32>,
        %get3A_753 = vector.shape_cast %get3A_752 : vector<1x1x16xf32> to vector<16xf32>
        %add3A_754 = arith.addf %add3A_724, %get3A_753 : vector<16xf32>
        %get3A_755 = arith.constant 0 : i32
        %get3A_756 = arith.index_cast %get3A_755 : i32 to index
        %get3A_757 = arith.index_cast %scan3A_740 : i32 to index
        %get3A_758 = arith.constant 32 : index
        %get3A_759 = tpu.vector_load %arg6[%get3A_756, %get3A_757, %get3A_758] {strides = array<i32>} : memref<4x200x64xf32, #tpu.memory_space<vmem>>, vector<1x1x16xf32>,
        %get3A_760 = vector.shape_cast %get3A_759 : vector<1x1x16xf32> to vector<16xf32>
        %add3A_761 = arith.addf %add3A_731, %get3A_760 : vector<16xf32>
        %get3A_762 = arith.constant 0 : i32
        %get3A_763 = arith.index_cast %get3A_762 : i32 to index
        %get3A_764 = arith.index_cast %scan3A_740 : i32 to index
        %get3A_765 = arith.constant 48 : index
        %get3A_766 = tpu.vector_load %arg6[%get3A_763, %get3A_764, %get3A_765] {strides = array<i32>} : memref<4x200x64xf32, #tpu.memory_space<vmem>>, vector<1x1x16xf32>,
        %get3A_767 = vector.shape_cast %get3A_766 : vector<1x1x16xf32> to vector<16xf32>
        %add3A_768 = arith.addf %add3A_738, %get3A_767 : vector<16xf32>
        scf.yield %add3A_747, %add3A_754, %add3A_761, %add3A_768 : vector<16xf32>, vector<16xf32>, vector<16xf32>, vector<16xf32>
      }
      %scan3A_396 = arith.constant 200 : i32
      %mul3A_397 = vector.broadcast %scan3A : f32 to vector<16xf32>
      %mul3A_398 = arith.mulf %scan3A_395#0, %mul3A_397 : vector<16xf32>
      %swap3A_399 = arith.index_cast %add3A_382 : i32 to index
      %swap3A_400 = arith.constant 0 : index
      %swap3A_401 = tpu.vector_load %arg7[%swap3A_399, %swap3A_400] {strides = array<i32>} : memref<128x64xf32, #tpu.memory_space<vmem>>, vector<1x16xf32>,
      %swap3A_402 = vector.shape_cast %swap3A_401 : vector<1x16xf32> to vector<16xf32>
      %swap3A_403 = vector.shape_cast %mul3A_398 : vector<16xf32> to vector<1x16xf32>
      tpu.vector_store %arg7[%swap3A_399, %swap3A_400], %swap3A_403 {strides = array<i32>} : memref<128x64xf32, #tpu.memory_space<vmem>>, vector<1x16xf32>,
      %mul3A_404 = vector.broadcast %scan3A : f32 to vector<16xf32>
      %mul3A_405 = arith.mulf %scan3A_395#1, %mul3A_404 : vector<16xf32>
      %swap3A_406 = arith.index_cast %add3A_382 : i32 to index
      %swap3A_407 = arith.constant 16 : index
      %swap3A_408 = tpu.vector_load %arg7[%swap3A_406, %swap3A_407] {strides = array<i32>} : memref<128x64xf32, #tpu.memory_space<vmem>>, vector<1x16xf32>,
      %swap3A_409 = vector.shape_cast %swap3A_408 : vector<1x16xf32> to vector<16xf32>
      %swap3A_410 = vector.shape_cast %mul3A_405 : vector<16xf32> to vector<1x16xf32>
      tpu.vector_store %arg7[%swap3A_406, %swap3A_407], %swap3A_410 {strides = array<i32>} : memref<128x64xf32, #tpu.memory_space<vmem>>, vector<1x16xf32>,
      %mul3A_411 = vector.broadcast %scan3A : f32 to vector<16xf32>
      %mul3A_412 = arith.mulf %scan3A_395#2, %mul3A_411 : vector<16xf32>
      %swap3A_413 = arith.index_cast %add3A_382 : i32 to index
      %swap3A_414 = arith.constant 32 : index
      %swap3A_415 = tpu.vector_load %arg7[%swap3A_413, %swap3A_414] {strides = array<i32>} : memref<128x64xf32, #tpu.memory_space<vmem>>, vector<1x16xf32>,
      %swap3A_416 = vector.shape_cast %swap3A_415 : vector<1x16xf32> to vector<16xf32>
      %swap3A_417 = vector.shape_cast %mul3A_412 : vector<16xf32> to vector<1x16xf32>
      tpu.vector_store %arg7[%swap3A_413, %swap3A_414], %swap3A_417 {strides = array<i32>} : memref<128x64xf32, #tpu.memory_space<vmem>>, vector<1x16xf32>,
      %mul3A_418 = vector.broadcast %scan3A : f32 to vector<16xf32>
      %mul3A_419 = arith.mulf %scan3A_395#3, %mul3A_418 : vector<16xf32>
      %swap3A_420 = arith.index_cast %add3A_382 : i32 to index
      %swap3A_421 = arith.constant 48 : index
      %swap3A_422 = tpu.vector_load %arg7[%swap3A_420, %swap3A_421] {strides = array<i32>} : memref<128x64xf32, #tpu.memory_space<vmem>>, vector<1x16xf32>,
      %swap3A_423 = vector.shape_cast %swap3A_422 : vector<1x16xf32> to vector<16xf32>
      %swap3A_424 = vector.shape_cast %mul3A_419 : vector<16xf32> to vector<1x16xf32>
      tpu.vector_store %arg7[%swap3A_420, %swap3A_421], %swap3A_424 {strides = array<i32>} : memref<128x64xf32, #tpu.memory_space<vmem>>, vector<1x16xf32>,
      %add3A_425 = arith.constant 0 : i32
      %add3A_426 = arith.addi %mul3A_365, %add3A_425 : i32
      %add3A_427 = arith.constant 4 : i32
      %add3A_428 = arith.addi %add3A_426, %add3A_427 : i32
      %dma_start3A_429 = arith.constant 0 : i32
      %dma_start3A_430 = arith.constant 0 : i32
      %dma_start3A_431 = arith.constant 0 : i32
      %dma_start3A_432 = tpu.memref_slice %arg6[%dma_start3A_429, %dma_start3A_430, %dma_start3A_431] : memref<4x200x64xf32, #tpu.memory_space<vmem>> -> memref<1x128x64xf32, #tpu.memory_space<vmem>>
      %dma_start3A_433 = tpu.memref_squeeze %dma_start3A_432 : memref<1x128x64xf32, #tpu.memory_space<vmem>> -> memref<128x64xf32, #tpu.memory_space<vmem>>
      %dma_start3A_434 = arith.constant 0 : i32
      %dma_start3A_435 = tpu.memref_slice %arg5[%add3A_428, %dma_start3A_434] : memref<128x200xi32, #tpu.memory_space<vmem>> -> memref<1x128xi32, #tpu.memory_space<vmem>>
      %dma_start3A_436 = tpu.memref_squeeze %dma_start3A_435 : memref<1x128xi32, #tpu.memory_space<vmem>> -> memref<128xi32, #tpu.memory_space<vmem>>
      %dma_start3A_437 = arith.constant 0 : i32
      %dma_start3A_438 = arith.constant 0 : i32
      %dma_start3A_439 = tpu.memref_slice %arg3[%dma_start3A_437, %dma_start3A_438] : memref<1000000x64xf32, #tpu.memory_space<hbm>> -> memref<1000000x64xf32, #tpu.memory_space<hbm>>
      tpu.enqueue_indirect_dma source(%dma_start3A_439 : memref<1000000x64xf32, #tpu.memory_space<hbm>>) target(%dma_start3A_433 : memref<128x64xf32, #tpu.memory_space<vmem>>) offsets(%dma_start3A_436 : memref<128xi32, #tpu.memory_space<vmem>>) semaphore(%arg8 : memref<!tpu.dma_semaphore, #tpu.memory_space<semaphore_mem>>)
      %dma_start3A_440 = arith.constant 0 : i32
      %dma_start3A_441 = arith.constant 128 : i32
      %dma_start3A_442 = arith.constant 0 : i32
      %dma_start3A_443 = tpu.memref_slice %arg6[%dma_start3A_440, %dma_start3A_441, %dma_start3A_442] : memref<4x200x64xf32, #tpu.memory_space<vmem>> -> memref<1x72x64xf32, #tpu.memory_space<vmem>>
      %dma_start3A_444 = tpu.memref_squeeze %dma_start3A_443 : memref<1x72x64xf32, #tpu.memory_space<vmem>> -> memref<72x64xf32, #tpu.memory_space<vmem>>
      %dma_start3A_445 = arith.constant 128 : i32
      %dma_start3A_446 = tpu.memref_slice %arg5[%add3A_428, %dma_start3A_445] : memref<128x200xi32, #tpu.memory_space<vmem>> -> memref<1x72xi32, #tpu.memory_space<vmem>>
      %dma_start3A_447 = tpu.memref_squeeze %dma_start3A_446 : memref<1x72xi32, #tpu.memory_space<vmem>> -> memref<72xi32, #tpu.memory_space<vmem>>
      %dma_start3A_448 = arith.constant 0 : i32
      %dma_start3A_449 = arith.constant 0 : i32
      %dma_start3A_450 = tpu.memref_slice %arg3[%dma_start3A_448, %dma_start3A_449] : memref<1000000x64xf32, #tpu.memory_space<hbm>> -> memref<1000000x64xf32, #tpu.memory_space<hbm>>
      tpu.enqueue_indirect_dma source(%dma_start3A_450 : memref<1000000x64xf32, #tpu.memory_space<hbm>>) target(%dma_start3A_444 : memref<72x64xf32, #tpu.memory_space<vmem>>) offsets(%dma_start3A_447 : memref<72xi32, #tpu.memory_space<vmem>>) semaphore(%arg8 : memref<!tpu.dma_semaphore, #tpu.memory_space<semaphore_mem>>)
      %dma_wait3A_451 = arith.constant 1 : i32
      %dma_wait3A_452 = arith.constant 0 : i32
      %dma_wait3A_453 = arith.constant 0 : i32
      %dma_wait3A_454 = tpu.memref_slice %arg6[%dma_wait3A_451, %dma_wait3A_452, %dma_wait3A_453] : memref<4x200x64xf32, #tpu.memory_space<vmem>> -> memref<1x200x64xf32, #tpu.memory_space<vmem>>
      %dma_wait3A_455 = tpu.memref_squeeze %dma_wait3A_454 : memref<1x200x64xf32, #tpu.memory_space<vmem>> -> memref<200x64xf32, #tpu.memory_space<vmem>>
      %dma_wait3A_456 = arith.constant 0 : i32
      %dma_wait3A_457 = arith.constant 0 : i32
      %dma_wait3A_458 = tpu.memref_slice %arg3[%dma_wait3A_456, %dma_wait3A_457] : memref<1000000x64xf32, #tpu.memory_space<hbm>> -> memref<200x64xf32, #tpu.memory_space<hbm>>
      %dma_wait3A_459 = arith.constant 0 : i32
      %dma_wait3A_460 = arith.constant 0 : i32
      %dma_wait3A_461 = tpu.memref_slice %arg6[%dma_wait3A_451, %dma_wait3A_459, %dma_wait3A_460] : memref<4x200x64xf32, #tpu.memory_space<vmem>> -> memref<1x200x64xf32, #tpu.memory_space<vmem>>
      %dma_wait3A_462 = tpu.memref_squeeze %dma_wait3A_461 : memref<1x200x64xf32, #tpu.memory_space<vmem>> -> memref<200x64xf32, #tpu.memory_space<vmem>>
      %dma_wait3A_463 = arith.constant 0 : i32
      %dma_wait3A_464 = arith.constant 0 : i32
      %dma_wait3A_465 = tpu.memref_slice %arg3[%dma_wait3A_463, %dma_wait3A_464] : memref<1000000x64xf32, #tpu.memory_space<hbm>> -> memref<200x64xf32, #tpu.memory_space<hbm>>
      tpu.wait_dma2 semaphore(%arg9 : memref<!tpu.dma_semaphore, #tpu.memory_space<semaphore_mem>>) src(%dma_wait3A_465 : memref<200x64xf32, #tpu.memory_space<hbm>>) dst(%dma_wait3A_462 : memref<200x64xf32, #tpu.memory_space<vmem>>)
      %add3A_466 = arith.constant 1 : i32
      %add3A_467 = arith.addi %mul3A_365, %add3A_466 : i32
      %broadcast_in_dim3A_468 = arith.constant 0.000000e+00 : f32
      %broadcast_in_dim3A_469 = vector.broadcast %broadcast_in_dim3A_468 : f32 to vector<16xf32>
      %broadcast_in_dim3A_470 = arith.constant 0.000000e+00 : f32
      %broadcast_in_dim3A_471 = vector.broadcast %broadcast_in_dim3A_470 : f32 to vector<16xf32>
      %broadcast_in_dim3A_472 = arith.constant 0.000000e+00 : f32
      %broadcast_in_dim3A_473 = vector.broadcast %broadcast_in_dim3A_472 : f32 to vector<16xf32>
      %broadcast_in_dim3A_474 = arith.constant 0.000000e+00 : f32
      %broadcast_in_dim3A_475 = vector.broadcast %broadcast_in_dim3A_474 : f32 to vector<16xf32>
      %scan3A_476 = arith.constant 0 : i32
      %scan3A_477 = arith.constant 200 : i32
      %scan3A_478 = arith.addi %scan3A_476, %scan3A_477 : i32
      %scan3A_479 = arith.constant 2 : i32
      %scan3A_480:4 = scf.for %scan3A_707 = %scan3A_476 to %scan3A_478 step %scan3A_479 iter_args(%scan3A_708 = %broadcast_in_dim3A_469, %scan3A_709 = %broadcast_in_dim3A_471, %scan3A_710 = %broadcast_in_dim3A_473, %scan3A_711 = %broadcast_in_dim3A_475) -> (vector<16xf32>, vector<16xf32>, vector<16xf32>, vector<16xf32>)  : i32 {
        %get3A = arith.constant 1 : i32
        %get3A_712 = arith.index_cast %get3A : i32 to index
        %get3A_713 = arith.index_cast %scan3A_707 : i32 to index
        %get3A_714 = arith.constant 0 : index
        %get3A_715 = tpu.vector_load %arg6[%get3A_712, %get3A_713, %get3A_714] {strides = array<i32>} : memref<4x200x64xf32, #tpu.memory_space<vmem>>, vector<1x1x16xf32>,
        %get3A_716 = vector.shape_cast %get3A_715 : vector<1x1x16xf32> to vector<16xf32>
        %add3A_717 = arith.addf %scan3A_708, %get3A_716 : vector<16xf32>
        %get3A_718 = arith.constant 1 : i32
        %get3A_719 = arith.index_cast %get3A_718 : i32 to index
        %get3A_720 = arith.index_cast %scan3A_707 : i32 to index
        %get3A_721 = arith.constant 16 : index
        %get3A_722 = tpu.vector_load %arg6[%get3A_719, %get3A_720, %get3A_721] {strides = array<i32>} : memref<4x200x64xf32, #tpu.memory_space<vmem>>, vector<1x1x16xf32>,
        %get3A_723 = vector.shape_cast %get3A_722 : vector<1x1x16xf32> to vector<16xf32>
        %add3A_724 = arith.addf %scan3A_709, %get3A_723 : vector<16xf32>
        %get3A_725 = arith.constant 1 : i32
        %get3A_726 = arith.index_cast %get3A_725 : i32 to index
        %get3A_727 = arith.index_cast %scan3A_707 : i32 to index
        %get3A_728 = arith.constant 32 : index
        %get3A_729 = tpu.vector_load %arg6[%get3A_726, %get3A_727, %get3A_728] {strides = array<i32>} : memref<4x200x64xf32, #tpu.memory_space<vmem>>, vector<1x1x16xf32>,
        %get3A_730 = vector.shape_cast %get3A_729 : vector<1x1x16xf32> to vector<16xf32>
        %add3A_731 = arith.addf %scan3A_710, %get3A_730 : vector<16xf32>
        %get3A_732 = arith.constant 1 : i32
        %get3A_733 = arith.index_cast %get3A_732 : i32 to index
        %get3A_734 = arith.index_cast %scan3A_707 : i32 to index
        %get3A_735 = arith.constant 48 : index
        %get3A_736 = tpu.vector_load %arg6[%get3A_733, %get3A_734, %get3A_735] {strides = array<i32>} : memref<4x200x64xf32, #tpu.memory_space<vmem>>, vector<1x1x16xf32>,
        %get3A_737 = vector.shape_cast %get3A_736 : vector<1x1x16xf32> to vector<16xf32>
        %add3A_738 = arith.addf %scan3A_711, %get3A_737 : vector<16xf32>
        %scan3A_739 = arith.constant 1 : i32
        %scan3A_740 = arith.addi %scan3A_707, %scan3A_739 : i32
        %get3A_741 = arith.constant 1 : i32
        %get3A_742 = arith.index_cast %get3A_741 : i32 to index
        %get3A_743 = arith.index_cast %scan3A_740 : i32 to index
        %get3A_744 = arith.constant 0 : index
        %get3A_745 = tpu.vector_load %arg6[%get3A_742, %get3A_743, %get3A_744] {strides = array<i32>} : memref<4x200x64xf32, #tpu.memory_space<vmem>>, vector<1x1x16xf32>,
        %get3A_746 = vector.shape_cast %get3A_745 : vector<1x1x16xf32> to vector<16xf32>
        %add3A_747 = arith.addf %add3A_717, %get3A_746 : vector<16xf32>
        %get3A_748 = arith.constant 1 : i32
        %get3A_749 = arith.index_cast %get3A_748 : i32 to index
        %get3A_750 = arith.index_cast %scan3A_740 : i32 to index
        %get3A_751 = arith.constant 16 : index
        %get3A_752 = tpu.vector_load %arg6[%get3A_749, %get3A_750, %get3A_751] {strides = array<i32>} : memref<4x200x64xf32, #tpu.memory_space<vmem>>, vector<1x1x16xf32>,
        %get3A_753 = vector.shape_cast %get3A_752 : vector<1x1x16xf32> to vector<16xf32>
        %add3A_754 = arith.addf %add3A_724, %get3A_753 : vector<16xf32>
        %get3A_755 = arith.constant 1 : i32
        %get3A_756 = arith.index_cast %get3A_755 : i32 to index
        %get3A_757 = arith.index_cast %scan3A_740 : i32 to index
        %get3A_758 = arith.constant 32 : index
        %get3A_759 = tpu.vector_load %arg6[%get3A_756, %get3A_757, %get3A_758] {strides = array<i32>} : memref<4x200x64xf32, #tpu.memory_space<vmem>>, vector<1x1x16xf32>,
        %get3A_760 = vector.shape_cast %get3A_759 : vector<1x1x16xf32> to vector<16xf32>
        %add3A_761 = arith.addf %add3A_731, %get3A_760 : vector<16xf32>
        %get3A_762 = arith.constant 1 : i32
        %get3A_763 = arith.index_cast %get3A_762 : i32 to index
        %get3A_764 = arith.index_cast %scan3A_740 : i32 to index
        %get3A_765 = arith.constant 48 : index
        %get3A_766 = tpu.vector_load %arg6[%get3A_763, %get3A_764, %get3A_765] {strides = array<i32>} : memref<4x200x64xf32, #tpu.memory_space<vmem>>, vector<1x1x16xf32>,
        %get3A_767 = vector.shape_cast %get3A_766 : vector<1x1x16xf32> to vector<16xf32>
        %add3A_768 = arith.addf %add3A_738, %get3A_767 : vector<16xf32>
        scf.yield %add3A_747, %add3A_754, %add3A_761, %add3A_768 : vector<16xf32>, vector<16xf32>, vector<16xf32>, vector<16xf32>
      }
      %scan3A_481 = arith.constant 200 : i32
      %mul3A_482 = vector.broadcast %scan3A : f32 to vector<16xf32>
      %mul3A_483 = arith.mulf %scan3A_480#0, %mul3A_482 : vector<16xf32>
      %swap3A_484 = arith.index_cast %add3A_467 : i32 to index
      %swap3A_485 = arith.constant 0 : index
      %swap3A_486 = tpu.vector_load %arg7[%swap3A_484, %swap3A_485] {strides = array<i32>} : memref<128x64xf32, #tpu.memory_space<vmem>>, vector<1x16xf32>,
      %swap3A_487 = vector.shape_cast %swap3A_486 : vector<1x16xf32> to vector<16xf32>
      %swap3A_488 = vector.shape_cast %mul3A_483 : vector<16xf32> to vector<1x16xf32>
      tpu.vector_store %arg7[%swap3A_484, %swap3A_485], %swap3A_488 {strides = array<i32>} : memref<128x64xf32, #tpu.memory_space<vmem>>, vector<1x16xf32>,
      %mul3A_489 = vector.broadcast %scan3A : f32 to vector<16xf32>
      %mul3A_490 = arith.mulf %scan3A_480#1, %mul3A_489 : vector<16xf32>
      %swap3A_491 = arith.index_cast %add3A_467 : i32 to index
      %swap3A_492 = arith.constant 16 : index
      %swap3A_493 = tpu.vector_load %arg7[%swap3A_491, %swap3A_492] {strides = array<i32>} : memref<128x64xf32, #tpu.memory_space<vmem>>, vector<1x16xf32>,
      %swap3A_494 = vector.shape_cast %swap3A_493 : vector<1x16xf32> to vector<16xf32>
      %swap3A_495 = vector.shape_cast %mul3A_490 : vector<16xf32> to vector<1x16xf32>
      tpu.vector_store %arg7[%swap3A_491, %swap3A_492], %swap3A_495 {strides = array<i32>} : memref<128x64xf32, #tpu.memory_space<vmem>>, vector<1x16xf32>,
      %mul3A_496 = vector.broadcast %scan3A : f32 to vector<16xf32>
      %mul3A_497 = arith.mulf %scan3A_480#2, %mul3A_496 : vector<16xf32>
      %swap3A_498 = arith.index_cast %add3A_467 : i32 to index
      %swap3A_499 = arith.constant 32 : index
      %swap3A_500 = tpu.vector_load %arg7[%swap3A_498, %swap3A_499] {strides = array<i32>} : memref<128x64xf32, #tpu.memory_space<vmem>>, vector<1x16xf32>,
      %swap3A_501 = vector.shape_cast %swap3A_500 : vector<1x16xf32> to vector<16xf32>
      %swap3A_502 = vector.shape_cast %mul3A_497 : vector<16xf32> to vector<1x16xf32>
      tpu.vector_store %arg7[%swap3A_498, %swap3A_499], %swap3A_502 {strides = array<i32>} : memref<128x64xf32, #tpu.memory_space<vmem>>, vector<1x16xf32>,
      %mul3A_503 = vector.broadcast %scan3A : f32 to vector<16xf32>
      %mul3A_504 = arith.mulf %scan3A_480#3, %mul3A_503 : vector<16xf32>
      %swap3A_505 = arith.index_cast %add3A_467 : i32 to index
      %swap3A_506 = arith.constant 48 : index
      %swap3A_507 = tpu.vector_load %arg7[%swap3A_505, %swap3A_506] {strides = array<i32>} : memref<128x64xf32, #tpu.memory_space<vmem>>, vector<1x16xf32>,
      %swap3A_508 = vector.shape_cast %swap3A_507 : vector<1x16xf32> to vector<16xf32>
      %swap3A_509 = vector.shape_cast %mul3A_504 : vector<16xf32> to vector<1x16xf32>
      tpu.vector_store %arg7[%swap3A_505, %swap3A_506], %swap3A_509 {strides = array<i32>} : memref<128x64xf32, #tpu.memory_space<vmem>>, vector<1x16xf32>,
      %add3A_510 = arith.constant 1 : i32
      %add3A_511 = arith.addi %mul3A_365, %add3A_510 : i32
      %add3A_512 = arith.constant 4 : i32
      %add3A_513 = arith.addi %add3A_511, %add3A_512 : i32
      %dma_start3A_514 = arith.constant 1 : i32
      %dma_start3A_515 = arith.constant 0 : i32
      %dma_start3A_516 = arith.constant 0 : i32
      %dma_start3A_517 = tpu.memref_slice %arg6[%dma_start3A_514, %dma_start3A_515, %dma_start3A_516] : memref<4x200x64xf32, #tpu.memory_space<vmem>> -> memref<1x128x64xf32, #tpu.memory_space<vmem>>
      %dma_start3A_518 = tpu.memref_squeeze %dma_start3A_517 : memref<1x128x64xf32, #tpu.memory_space<vmem>> -> memref<128x64xf32, #tpu.memory_space<vmem>>
      %dma_start3A_519 = arith.constant 0 : i32
      %dma_start3A_520 = tpu.memref_slice %arg5[%add3A_513, %dma_start3A_519] : memref<128x200xi32, #tpu.memory_space<vmem>> -> memref<1x128xi32, #tpu.memory_space<vmem>>
      %dma_start3A_521 = tpu.memref_squeeze %dma_start3A_520 : memref<1x128xi32, #tpu.memory_space<vmem>> -> memref<128xi32, #tpu.memory_space<vmem>>
      %dma_start3A_522 = arith.constant 0 : i32
      %dma_start3A_523 = arith.constant 0 : i32
      %dma_start3A_524 = tpu.memref_slice %arg3[%dma_start3A_522, %dma_start3A_523] : memref<1000000x64xf32, #tpu.memory_space<hbm>> -> memref<1000000x64xf32, #tpu.memory_space<hbm>>
      tpu.enqueue_indirect_dma source(%dma_start3A_524 : memref<1000000x64xf32, #tpu.memory_space<hbm>>) target(%dma_start3A_518 : memref<128x64xf32, #tpu.memory_space<vmem>>) offsets(%dma_start3A_521 : memref<128xi32, #tpu.memory_space<vmem>>) semaphore(%arg9 : memref<!tpu.dma_semaphore, #tpu.memory_space<semaphore_mem>>)
      %dma_start3A_525 = arith.constant 1 : i32
      %dma_start3A_526 = arith.constant 128 : i32
      %dma_start3A_527 = arith.constant 0 : i32
      %dma_start3A_528 = tpu.memref_slice %arg6[%dma_start3A_525, %dma_start3A_526, %dma_start3A_527] : memref<4x200x64xf32, #tpu.memory_space<vmem>> -> memref<1x72x64xf32, #tpu.memory_space<vmem>>
      %dma_start3A_529 = tpu.memref_squeeze %dma_start3A_528 : memref<1x72x64xf32, #tpu.memory_space<vmem>> -> memref<72x64xf32, #tpu.memory_space<vmem>>
      %dma_start3A_530 = arith.constant 128 : i32
      %dma_start3A_531 = tpu.memref_slice %arg5[%add3A_513, %dma_start3A_530] : memref<128x200xi32, #tpu.memory_space<vmem>> -> memref<1x72xi32, #tpu.memory_space<vmem>>
      %dma_start3A_532 = tpu.memref_squeeze %dma_start3A_531 : memref<1x72xi32, #tpu.memory_space<vmem>> -> memref<72xi32, #tpu.memory_space<vmem>>
      %dma_start3A_533 = arith.constant 0 : i32
      %dma_start3A_534 = arith.constant 0 : i32
      %dma_start3A_535 = tpu.memref_slice %arg3[%dma_start3A_533, %dma_start3A_534] : memref<1000000x64xf32, #tpu.memory_space<hbm>> -> memref<1000000x64xf32, #tpu.memory_space<hbm>>
      tpu.enqueue_indirect_dma source(%dma_start3A_535 : memref<1000000x64xf32, #tpu.memory_space<hbm>>) target(%dma_start3A_529 : memref<72x64xf32, #tpu.memory_space<vmem>>) offsets(%dma_start3A_532 : memref<72xi32, #tpu.memory_space<vmem>>) semaphore(%arg9 : memref<!tpu.dma_semaphore, #tpu.memory_space<semaphore_mem>>)
      %dma_wait3A_536 = arith.constant 2 : i32
      %dma_wait3A_537 = arith.constant 0 : i32
      %dma_wait3A_538 = arith.constant 0 : i32
      %dma_wait3A_539 = tpu.memref_slice %arg6[%dma_wait3A_536, %dma_wait3A_537, %dma_wait3A_538] : memref<4x200x64xf32, #tpu.memory_space<vmem>> -> memref<1x200x64xf32, #tpu.memory_space<vmem>>
      %dma_wait3A_540 = tpu.memref_squeeze %dma_wait3A_539 : memref<1x200x64xf32, #tpu.memory_space<vmem>> -> memref<200x64xf32, #tpu.memory_space<vmem>>
      %dma_wait3A_541 = arith.constant 0 : i32
      %dma_wait3A_542 = arith.constant 0 : i32
      %dma_wait3A_543 = tpu.memref_slice %arg3[%dma_wait3A_541, %dma_wait3A_542] : memref<1000000x64xf32, #tpu.memory_space<hbm>> -> memref<200x64xf32, #tpu.memory_space<hbm>>
      %dma_wait3A_544 = arith.constant 0 : i32
      %dma_wait3A_545 = arith.constant 0 : i32
      %dma_wait3A_546 = tpu.memref_slice %arg6[%dma_wait3A_536, %dma_wait3A_544, %dma_wait3A_545] : memref<4x200x64xf32, #tpu.memory_space<vmem>> -> memref<1x200x64xf32, #tpu.memory_space<vmem>>
      %dma_wait3A_547 = tpu.memref_squeeze %dma_wait3A_546 : memref<1x200x64xf32, #tpu.memory_space<vmem>> -> memref<200x64xf32, #tpu.memory_space<vmem>>
      %dma_wait3A_548 = arith.constant 0 : i32
      %dma_wait3A_549 = arith.constant 0 : i32
      %dma_wait3A_550 = tpu.memref_slice %arg3[%dma_wait3A_548, %dma_wait3A_549] : memref<1000000x64xf32, #tpu.memory_space<hbm>> -> memref<200x64xf32, #tpu.memory_space<hbm>>
      tpu.wait_dma2 semaphore(%arg10 : memref<!tpu.dma_semaphore, #tpu.memory_space<semaphore_mem>>) src(%dma_wait3A_550 : memref<200x64xf32, #tpu.memory_space<hbm>>) dst(%dma_wait3A_547 : memref<200x64xf32, #tpu.memory_space<vmem>>)
      %add3A_551 = arith.constant 2 : i32
      %add3A_552 = arith.addi %mul3A_365, %add3A_551 : i32
      %broadcast_in_dim3A_553 = arith.constant 0.000000e+00 : f32
      %broadcast_in_dim3A_554 = vector.broadcast %broadcast_in_dim3A_553 : f32 to vector<16xf32>
      %broadcast_in_dim3A_555 = arith.constant 0.000000e+00 : f32
      %broadcast_in_dim3A_556 = vector.broadcast %broadcast_in_dim3A_555 : f32 to vector<16xf32>
      %broadcast_in_dim3A_557 = arith.constant 0.000000e+00 : f32
      %broadcast_in_dim3A_558 = vector.broadcast %broadcast_in_dim3A_557 : f32 to vector<16xf32>
      %broadcast_in_dim3A_559 = arith.constant 0.000000e+00 : f32
      %broadcast_in_dim3A_560 = vector.broadcast %broadcast_in_dim3A_559 : f32 to vector<16xf32>
      %scan3A_561 = arith.constant 0 : i32
      %scan3A_562 = arith.constant 200 : i32
      %scan3A_563 = arith.addi %scan3A_561, %scan3A_562 : i32
      %scan3A_564 = arith.constant 2 : i32
      %scan3A_565:4 = scf.for %scan3A_707 = %scan3A_561 to %scan3A_563 step %scan3A_564 iter_args(%scan3A_708 = %broadcast_in_dim3A_554, %scan3A_709 = %broadcast_in_dim3A_556, %scan3A_710 = %broadcast_in_dim3A_558, %scan3A_711 = %broadcast_in_dim3A_560) -> (vector<16xf32>, vector<16xf32>, vector<16xf32>, vector<16xf32>)  : i32 {
        %get3A = arith.constant 2 : i32
        %get3A_712 = arith.index_cast %get3A : i32 to index
        %get3A_713 = arith.index_cast %scan3A_707 : i32 to index
        %get3A_714 = arith.constant 0 : index
        %get3A_715 = tpu.vector_load %arg6[%get3A_712, %get3A_713, %get3A_714] {strides = array<i32>} : memref<4x200x64xf32, #tpu.memory_space<vmem>>, vector<1x1x16xf32>,
        %get3A_716 = vector.shape_cast %get3A_715 : vector<1x1x16xf32> to vector<16xf32>
        %add3A_717 = arith.addf %scan3A_708, %get3A_716 : vector<16xf32>
        %get3A_718 = arith.constant 2 : i32
        %get3A_719 = arith.index_cast %get3A_718 : i32 to index
        %get3A_720 = arith.index_cast %scan3A_707 : i32 to index
        %get3A_721 = arith.constant 16 : index
        %get3A_722 = tpu.vector_load %arg6[%get3A_719, %get3A_720, %get3A_721] {strides = array<i32>} : memref<4x200x64xf32, #tpu.memory_space<vmem>>, vector<1x1x16xf32>,
        %get3A_723 = vector.shape_cast %get3A_722 : vector<1x1x16xf32> to vector<16xf32>
        %add3A_724 = arith.addf %scan3A_709, %get3A_723 : vector<16xf32>
        %get3A_725 = arith.constant 2 : i32
        %get3A_726 = arith.index_cast %get3A_725 : i32 to index
        %get3A_727 = arith.index_cast %scan3A_707 : i32 to index
        %get3A_728 = arith.constant 32 : index
        %get3A_729 = tpu.vector_load %arg6[%get3A_726, %get3A_727, %get3A_728] {strides = array<i32>} : memref<4x200x64xf32, #tpu.memory_space<vmem>>, vector<1x1x16xf32>,
        %get3A_730 = vector.shape_cast %get3A_729 : vector<1x1x16xf32> to vector<16xf32>
        %add3A_731 = arith.addf %scan3A_710, %get3A_730 : vector<16xf32>
        %get3A_732 = arith.constant 2 : i32
        %get3A_733 = arith.index_cast %get3A_732 : i32 to index
        %get3A_734 = arith.index_cast %scan3A_707 : i32 to index
        %get3A_735 = arith.constant 48 : index
        %get3A_736 = tpu.vector_load %arg6[%get3A_733, %get3A_734, %get3A_735] {strides = array<i32>} : memref<4x200x64xf32, #tpu.memory_space<vmem>>, vector<1x1x16xf32>,
        %get3A_737 = vector.shape_cast %get3A_736 : vector<1x1x16xf32> to vector<16xf32>
        %add3A_738 = arith.addf %scan3A_711, %get3A_737 : vector<16xf32>
        %scan3A_739 = arith.constant 1 : i32
        %scan3A_740 = arith.addi %scan3A_707, %scan3A_739 : i32
        %get3A_741 = arith.constant 2 : i32
        %get3A_742 = arith.index_cast %get3A_741 : i32 to index
        %get3A_743 = arith.index_cast %scan3A_740 : i32 to index
        %get3A_744 = arith.constant 0 : index
        %get3A_745 = tpu.vector_load %arg6[%get3A_742, %get3A_743, %get3A_744] {strides = array<i32>} : memref<4x200x64xf32, #tpu.memory_space<vmem>>, vector<1x1x16xf32>,
        %get3A_746 = vector.shape_cast %get3A_745 : vector<1x1x16xf32> to vector<16xf32>
        %add3A_747 = arith.addf %add3A_717, %get3A_746 : vector<16xf32>
        %get3A_748 = arith.constant 2 : i32
        %get3A_749 = arith.index_cast %get3A_748 : i32 to index
        %get3A_750 = arith.index_cast %scan3A_740 : i32 to index
        %get3A_751 = arith.constant 16 : index
        %get3A_752 = tpu.vector_load %arg6[%get3A_749, %get3A_750, %get3A_751] {strides = array<i32>} : memref<4x200x64xf32, #tpu.memory_space<vmem>>, vector<1x1x16xf32>,
        %get3A_753 = vector.shape_cast %get3A_752 : vector<1x1x16xf32> to vector<16xf32>
        %add3A_754 = arith.addf %add3A_724, %get3A_753 : vector<16xf32>
        %get3A_755 = arith.constant 2 : i32
        %get3A_756 = arith.index_cast %get3A_755 : i32 to index
        %get3A_757 = arith.index_cast %scan3A_740 : i32 to index
        %get3A_758 = arith.constant 32 : index
        %get3A_759 = tpu.vector_load %arg6[%get3A_756, %get3A_757, %get3A_758] {strides = array<i32>} : memref<4x200x64xf32, #tpu.memory_space<vmem>>, vector<1x1x16xf32>,
        %get3A_760 = vector.shape_cast %get3A_759 : vector<1x1x16xf32> to vector<16xf32>
        %add3A_761 = arith.addf %add3A_731, %get3A_760 : vector<16xf32>
        %get3A_762 = arith.constant 2 : i32
        %get3A_763 = arith.index_cast %get3A_762 : i32 to index
        %get3A_764 = arith.index_cast %scan3A_740 : i32 to index
        %get3A_765 = arith.constant 48 : index
        %get3A_766 = tpu.vector_load %arg6[%get3A_763, %get3A_764, %get3A_765] {strides = array<i32>} : memref<4x200x64xf32, #tpu.memory_space<vmem>>, vector<1x1x16xf32>,
        %get3A_767 = vector.shape_cast %get3A_766 : vector<1x1x16xf32> to vector<16xf32>
        %add3A_768 = arith.addf %add3A_738, %get3A_767 : vector<16xf32>
        scf.yield %add3A_747, %add3A_754, %add3A_761, %add3A_768 : vector<16xf32>, vector<16xf32>, vector<16xf32>, vector<16xf32>
      }
      %scan3A_566 = arith.constant 200 : i32
      %mul3A_567 = vector.broadcast %scan3A : f32 to vector<16xf32>
      %mul3A_568 = arith.mulf %scan3A_565#0, %mul3A_567 : vector<16xf32>
      %swap3A_569 = arith.index_cast %add3A_552 : i32 to index
      %swap3A_570 = arith.constant 0 : index
      %swap3A_571 = tpu.vector_load %arg7[%swap3A_569, %swap3A_570] {strides = array<i32>} : memref<128x64xf32, #tpu.memory_space<vmem>>, vector<1x16xf32>,
      %swap3A_572 = vector.shape_cast %swap3A_571 : vector<1x16xf32> to vector<16xf32>
      %swap3A_573 = vector.shape_cast %mul3A_568 : vector<16xf32> to vector<1x16xf32>
      tpu.vector_store %arg7[%swap3A_569, %swap3A_570], %swap3A_573 {strides = array<i32>} : memref<128x64xf32, #tpu.memory_space<vmem>>, vector<1x16xf32>,
      %mul3A_574 = vector.broadcast %scan3A : f32 to vector<16xf32>
      %mul3A_575 = arith.mulf %scan3A_565#1, %mul3A_574 : vector<16xf32>
      %swap3A_576 = arith.index_cast %add3A_552 : i32 to index
      %swap3A_577 = arith.constant 16 : index
      %swap3A_578 = tpu.vector_load %arg7[%swap3A_576, %swap3A_577] {strides = array<i32>} : memref<128x64xf32, #tpu.memory_space<vmem>>, vector<1x16xf32>,
      %swap3A_579 = vector.shape_cast %swap3A_578 : vector<1x16xf32> to vector<16xf32>
      %swap3A_580 = vector.shape_cast %mul3A_575 : vector<16xf32> to vector<1x16xf32>
      tpu.vector_store %arg7[%swap3A_576, %swap3A_577], %swap3A_580 {strides = array<i32>} : memref<128x64xf32, #tpu.memory_space<vmem>>, vector<1x16xf32>,
      %mul3A_581 = vector.broadcast %scan3A : f32 to vector<16xf32>
      %mul3A_582 = arith.mulf %scan3A_565#2, %mul3A_581 : vector<16xf32>
      %swap3A_583 = arith.index_cast %add3A_552 : i32 to index
      %swap3A_584 = arith.constant 32 : index
      %swap3A_585 = tpu.vector_load %arg7[%swap3A_583, %swap3A_584] {strides = array<i32>} : memref<128x64xf32, #tpu.memory_space<vmem>>, vector<1x16xf32>,
      %swap3A_586 = vector.shape_cast %swap3A_585 : vector<1x16xf32> to vector<16xf32>
      %swap3A_587 = vector.shape_cast %mul3A_582 : vector<16xf32> to vector<1x16xf32>
      tpu.vector_store %arg7[%swap3A_583, %swap3A_584], %swap3A_587 {strides = array<i32>} : memref<128x64xf32, #tpu.memory_space<vmem>>, vector<1x16xf32>,
      %mul3A_588 = vector.broadcast %scan3A : f32 to vector<16xf32>
      %mul3A_589 = arith.mulf %scan3A_565#3, %mul3A_588 : vector<16xf32>
      %swap3A_590 = arith.index_cast %add3A_552 : i32 to index
      %swap3A_591 = arith.constant 48 : index
      %swap3A_592 = tpu.vector_load %arg7[%swap3A_590, %swap3A_591] {strides = array<i32>} : memref<128x64xf32, #tpu.memory_space<vmem>>, vector<1x16xf32>,
      %swap3A_593 = vector.shape_cast %swap3A_592 : vector<1x16xf32> to vector<16xf32>
      %swap3A_594 = vector.shape_cast %mul3A_589 : vector<16xf32> to vector<1x16xf32>
      tpu.vector_store %arg7[%swap3A_590, %swap3A_591], %swap3A_594 {strides = array<i32>} : memref<128x64xf32, #tpu.memory_space<vmem>>, vector<1x16xf32>,
      %add3A_595 = arith.constant 2 : i32
      %add3A_596 = arith.addi %mul3A_365, %add3A_595 : i32
      %add3A_597 = arith.constant 4 : i32
      %add3A_598 = arith.addi %add3A_596, %add3A_597 : i32
      %dma_start3A_599 = arith.constant 2 : i32
      %dma_start3A_600 = arith.constant 0 : i32
      %dma_start3A_601 = arith.constant 0 : i32
      %dma_start3A_602 = tpu.memref_slice %arg6[%dma_start3A_599, %dma_start3A_600, %dma_start3A_601] : memref<4x200x64xf32, #tpu.memory_space<vmem>> -> memref<1x128x64xf32, #tpu.memory_space<vmem>>
      %dma_start3A_603 = tpu.memref_squeeze %dma_start3A_602 : memref<1x128x64xf32, #tpu.memory_space<vmem>> -> memref<128x64xf32, #tpu.memory_space<vmem>>
      %dma_start3A_604 = arith.constant 0 : i32
      %dma_start3A_605 = tpu.memref_slice %arg5[%add3A_598, %dma_start3A_604] : memref<128x200xi32, #tpu.memory_space<vmem>> -> memref<1x128xi32, #tpu.memory_space<vmem>>
      %dma_start3A_606 = tpu.memref_squeeze %dma_start3A_605 : memref<1x128xi32, #tpu.memory_space<vmem>> -> memref<128xi32, #tpu.memory_space<vmem>>
      %dma_start3A_607 = arith.constant 0 : i32
      %dma_start3A_608 = arith.constant 0 : i32
      %dma_start3A_609 = tpu.memref_slice %arg3[%dma_start3A_607, %dma_start3A_608] : memref<1000000x64xf32, #tpu.memory_space<hbm>> -> memref<1000000x64xf32, #tpu.memory_space<hbm>>
      tpu.enqueue_indirect_dma source(%dma_start3A_609 : memref<1000000x64xf32, #tpu.memory_space<hbm>>) target(%dma_start3A_603 : memref<128x64xf32, #tpu.memory_space<vmem>>) offsets(%dma_start3A_606 : memref<128xi32, #tpu.memory_space<vmem>>) semaphore(%arg10 : memref<!tpu.dma_semaphore, #tpu.memory_space<semaphore_mem>>)
      %dma_start3A_610 = arith.constant 2 : i32
      %dma_start3A_611 = arith.constant 128 : i32
      %dma_start3A_612 = arith.constant 0 : i32
      %dma_start3A_613 = tpu.memref_slice %arg6[%dma_start3A_610, %dma_start3A_611, %dma_start3A_612] : memref<4x200x64xf32, #tpu.memory_space<vmem>> -> memref<1x72x64xf32, #tpu.memory_space<vmem>>
      %dma_start3A_614 = tpu.memref_squeeze %dma_start3A_613 : memref<1x72x64xf32, #tpu.memory_space<vmem>> -> memref<72x64xf32, #tpu.memory_space<vmem>>
      %dma_start3A_615 = arith.constant 128 : i32
      %dma_start3A_616 = tpu.memref_slice %arg5[%add3A_598, %dma_start3A_615] : memref<128x200xi32, #tpu.memory_space<vmem>> -> memref<1x72xi32, #tpu.memory_space<vmem>>
      %dma_start3A_617 = tpu.memref_squeeze %dma_start3A_616 : memref<1x72xi32, #tpu.memory_space<vmem>> -> memref<72xi32, #tpu.memory_space<vmem>>
      %dma_start3A_618 = arith.constant 0 : i32
      %dma_start3A_619 = arith.constant 0 : i32
      %dma_start3A_620 = tpu.memref_slice %arg3[%dma_start3A_618, %dma_start3A_619] : memref<1000000x64xf32, #tpu.memory_space<hbm>> -> memref<1000000x64xf32, #tpu.memory_space<hbm>>
      tpu.enqueue_indirect_dma source(%dma_start3A_620 : memref<1000000x64xf32, #tpu.memory_space<hbm>>) target(%dma_start3A_614 : memref<72x64xf32, #tpu.memory_space<vmem>>) offsets(%dma_start3A_617 : memref<72xi32, #tpu.memory_space<vmem>>) semaphore(%arg10 : memref<!tpu.dma_semaphore, #tpu.memory_space<semaphore_mem>>)
      %dma_wait3A_621 = arith.constant 3 : i32
      %dma_wait3A_622 = arith.constant 0 : i32
      %dma_wait3A_623 = arith.constant 0 : i32
      %dma_wait3A_624 = tpu.memref_slice %arg6[%dma_wait3A_621, %dma_wait3A_622, %dma_wait3A_623] : memref<4x200x64xf32, #tpu.memory_space<vmem>> -> memref<1x200x64xf32, #tpu.memory_space<vmem>>
      %dma_wait3A_625 = tpu.memref_squeeze %dma_wait3A_624 : memref<1x200x64xf32, #tpu.memory_space<vmem>> -> memref<200x64xf32, #tpu.memory_space<vmem>>
      %dma_wait3A_626 = arith.constant 0 : i32
      %dma_wait3A_627 = arith.constant 0 : i32
      %dma_wait3A_628 = tpu.memref_slice %arg3[%dma_wait3A_626, %dma_wait3A_627] : memref<1000000x64xf32, #tpu.memory_space<hbm>> -> memref<200x64xf32, #tpu.memory_space<hbm>>
      %dma_wait3A_629 = arith.constant 0 : i32
      %dma_wait3A_630 = arith.constant 0 : i32
      %dma_wait3A_631 = tpu.memref_slice %arg6[%dma_wait3A_621, %dma_wait3A_629, %dma_wait3A_630] : memref<4x200x64xf32, #tpu.memory_space<vmem>> -> memref<1x200x64xf32, #tpu.memory_space<vmem>>
      %dma_wait3A_632 = tpu.memref_squeeze %dma_wait3A_631 : memref<1x200x64xf32, #tpu.memory_space<vmem>> -> memref<200x64xf32, #tpu.memory_space<vmem>>
      %dma_wait3A_633 = arith.constant 0 : i32
      %dma_wait3A_634 = arith.constant 0 : i32
      %dma_wait3A_635 = tpu.memref_slice %arg3[%dma_wait3A_633, %dma_wait3A_634] : memref<1000000x64xf32, #tpu.memory_space<hbm>> -> memref<200x64xf32, #tpu.memory_space<hbm>>
      tpu.wait_dma2 semaphore(%arg11 : memref<!tpu.dma_semaphore, #tpu.memory_space<semaphore_mem>>) src(%dma_wait3A_635 : memref<200x64xf32, #tpu.memory_space<hbm>>) dst(%dma_wait3A_632 : memref<200x64xf32, #tpu.memory_space<vmem>>)
      %add3A_636 = arith.constant 3 : i32
      %add3A_637 = arith.addi %mul3A_365, %add3A_636 : i32
      %broadcast_in_dim3A_638 = arith.constant 0.000000e+00 : f32
      %broadcast_in_dim3A_639 = vector.broadcast %broadcast_in_dim3A_638 : f32 to vector<16xf32>
      %broadcast_in_dim3A_640 = arith.constant 0.000000e+00 : f32
      %broadcast_in_dim3A_641 = vector.broadcast %broadcast_in_dim3A_640 : f32 to vector<16xf32>
      %broadcast_in_dim3A_642 = arith.constant 0.000000e+00 : f32
      %broadcast_in_dim3A_643 = vector.broadcast %broadcast_in_dim3A_642 : f32 to vector<16xf32>
      %broadcast_in_dim3A_644 = arith.constant 0.000000e+00 : f32
      %broadcast_in_dim3A_645 = vector.broadcast %broadcast_in_dim3A_644 : f32 to vector<16xf32>
      %scan3A_646 = arith.constant 0 : i32
      %scan3A_647 = arith.constant 200 : i32
      %scan3A_648 = arith.addi %scan3A_646, %scan3A_647 : i32
      %scan3A_649 = arith.constant 2 : i32
      %scan3A_650:4 = scf.for %scan3A_707 = %scan3A_646 to %scan3A_648 step %scan3A_649 iter_args(%scan3A_708 = %broadcast_in_dim3A_639, %scan3A_709 = %broadcast_in_dim3A_641, %scan3A_710 = %broadcast_in_dim3A_643, %scan3A_711 = %broadcast_in_dim3A_645) -> (vector<16xf32>, vector<16xf32>, vector<16xf32>, vector<16xf32>)  : i32 {
        %get3A = arith.constant 3 : i32
        %get3A_712 = arith.index_cast %get3A : i32 to index
        %get3A_713 = arith.index_cast %scan3A_707 : i32 to index
        %get3A_714 = arith.constant 0 : index
        %get3A_715 = tpu.vector_load %arg6[%get3A_712, %get3A_713, %get3A_714] {strides = array<i32>} : memref<4x200x64xf32, #tpu.memory_space<vmem>>, vector<1x1x16xf32>,
        %get3A_716 = vector.shape_cast %get3A_715 : vector<1x1x16xf32> to vector<16xf32>
        %add3A_717 = arith.addf %scan3A_708, %get3A_716 : vector<16xf32>
        %get3A_718 = arith.constant 3 : i32
        %get3A_719 = arith.index_cast %get3A_718 : i32 to index
        %get3A_720 = arith.index_cast %scan3A_707 : i32 to index
        %get3A_721 = arith.constant 16 : index
        %get3A_722 = tpu.vector_load %arg6[%get3A_719, %get3A_720, %get3A_721] {strides = array<i32>} : memref<4x200x64xf32, #tpu.memory_space<vmem>>, vector<1x1x16xf32>,
        %get3A_723 = vector.shape_cast %get3A_722 : vector<1x1x16xf32> to vector<16xf32>
        %add3A_724 = arith.addf %scan3A_709, %get3A_723 : vector<16xf32>
        %get3A_725 = arith.constant 3 : i32
        %get3A_726 = arith.index_cast %get3A_725 : i32 to index
        %get3A_727 = arith.index_cast %scan3A_707 : i32 to index
        %get3A_728 = arith.constant 32 : index
        %get3A_729 = tpu.vector_load %arg6[%get3A_726, %get3A_727, %get3A_728] {strides = array<i32>} : memref<4x200x64xf32, #tpu.memory_space<vmem>>, vector<1x1x16xf32>,
        %get3A_730 = vector.shape_cast %get3A_729 : vector<1x1x16xf32> to vector<16xf32>
        %add3A_731 = arith.addf %scan3A_710, %get3A_730 : vector<16xf32>
        %get3A_732 = arith.constant 3 : i32
        %get3A_733 = arith.index_cast %get3A_732 : i32 to index
        %get3A_734 = arith.index_cast %scan3A_707 : i32 to index
        %get3A_735 = arith.constant 48 : index
        %get3A_736 = tpu.vector_load %arg6[%get3A_733, %get3A_734, %get3A_735] {strides = array<i32>} : memref<4x200x64xf32, #tpu.memory_space<vmem>>, vector<1x1x16xf32>,
        %get3A_737 = vector.shape_cast %get3A_736 : vector<1x1x16xf32> to vector<16xf32>
        %add3A_738 = arith.addf %scan3A_711, %get3A_737 : vector<16xf32>
        %scan3A_739 = arith.constant 1 : i32
        %scan3A_740 = arith.addi %scan3A_707, %scan3A_739 : i32
        %get3A_741 = arith.constant 3 : i32
        %get3A_742 = arith.index_cast %get3A_741 : i32 to index
        %get3A_743 = arith.index_cast %scan3A_740 : i32 to index
        %get3A_744 = arith.constant 0 : index
        %get3A_745 = tpu.vector_load %arg6[%get3A_742, %get3A_743, %get3A_744] {strides = array<i32>} : memref<4x200x64xf32, #tpu.memory_space<vmem>>, vector<1x1x16xf32>,
        %get3A_746 = vector.shape_cast %get3A_745 : vector<1x1x16xf32> to vector<16xf32>
        %add3A_747 = arith.addf %add3A_717, %get3A_746 : vector<16xf32>
        %get3A_748 = arith.constant 3 : i32
        %get3A_749 = arith.index_cast %get3A_748 : i32 to index
        %get3A_750 = arith.index_cast %scan3A_740 : i32 to index
        %get3A_751 = arith.constant 16 : index
        %get3A_752 = tpu.vector_load %arg6[%get3A_749, %get3A_750, %get3A_751] {strides = array<i32>} : memref<4x200x64xf32, #tpu.memory_space<vmem>>, vector<1x1x16xf32>,
        %get3A_753 = vector.shape_cast %get3A_752 : vector<1x1x16xf32> to vector<16xf32>
        %add3A_754 = arith.addf %add3A_724, %get3A_753 : vector<16xf32>
        %get3A_755 = arith.constant 3 : i32
        %get3A_756 = arith.index_cast %get3A_755 : i32 to index
        %get3A_757 = arith.index_cast %scan3A_740 : i32 to index
        %get3A_758 = arith.constant 32 : index
        %get3A_759 = tpu.vector_load %arg6[%get3A_756, %get3A_757, %get3A_758] {strides = array<i32>} : memref<4x200x64xf32, #tpu.memory_space<vmem>>, vector<1x1x16xf32>,
        %get3A_760 = vector.shape_cast %get3A_759 : vector<1x1x16xf32> to vector<16xf32>
        %add3A_761 = arith.addf %add3A_731, %get3A_760 : vector<16xf32>
        %get3A_762 = arith.constant 3 : i32
        %get3A_763 = arith.index_cast %get3A_762 : i32 to index
        %get3A_764 = arith.index_cast %scan3A_740 : i32 to index
        %get3A_765 = arith.constant 48 : index
        %get3A_766 = tpu.vector_load %arg6[%get3A_763, %get3A_764, %get3A_765] {strides = array<i32>} : memref<4x200x64xf32, #tpu.memory_space<vmem>>, vector<1x1x16xf32>,
        %get3A_767 = vector.shape_cast %get3A_766 : vector<1x1x16xf32> to vector<16xf32>
        %add3A_768 = arith.addf %add3A_738, %get3A_767 : vector<16xf32>
        scf.yield %add3A_747, %add3A_754, %add3A_761, %add3A_768 : vector<16xf32>, vector<16xf32>, vector<16xf32>, vector<16xf32>
      }
      %scan3A_651 = arith.constant 200 : i32
      %mul3A_652 = vector.broadcast %scan3A : f32 to vector<16xf32>
      %mul3A_653 = arith.mulf %scan3A_650#0, %mul3A_652 : vector<16xf32>
      %swap3A_654 = arith.index_cast %add3A_637 : i32 to index
      %swap3A_655 = arith.constant 0 : index
      %swap3A_656 = tpu.vector_load %arg7[%swap3A_654, %swap3A_655] {strides = array<i32>} : memref<128x64xf32, #tpu.memory_space<vmem>>, vector<1x16xf32>,
      %swap3A_657 = vector.shape_cast %swap3A_656 : vector<1x16xf32> to vector<16xf32>
      %swap3A_658 = vector.shape_cast %mul3A_653 : vector<16xf32> to vector<1x16xf32>
      tpu.vector_store %arg7[%swap3A_654, %swap3A_655], %swap3A_658 {strides = array<i32>} : memref<128x64xf32, #tpu.memory_space<vmem>>, vector<1x16xf32>,
      %mul3A_659 = vector.broadcast %scan3A : f32 to vector<16xf32>
      %mul3A_660 = arith.mulf %scan3A_650#1, %mul3A_659 : vector<16xf32>
      %swap3A_661 = arith.index_cast %add3A_637 : i32 to index
      %swap3A_662 = arith.constant 16 : index
      %swap3A_663 = tpu.vector_load %arg7[%swap3A_661, %swap3A_662] {strides = array<i32>} : memref<128x64xf32, #tpu.memory_space<vmem>>, vector<1x16xf32>,
      %swap3A_664 = vector.shape_cast %swap3A_663 : vector<1x16xf32> to vector<16xf32>
      %swap3A_665 = vector.shape_cast %mul3A_660 : vector<16xf32> to vector<1x16xf32>
      tpu.vector_store %arg7[%swap3A_661, %swap3A_662], %swap3A_665 {strides = array<i32>} : memref<128x64xf32, #tpu.memory_space<vmem>>, vector<1x16xf32>,
      %mul3A_666 = vector.broadcast %scan3A : f32 to vector<16xf32>
      %mul3A_667 = arith.mulf %scan3A_650#2, %mul3A_666 : vector<16xf32>
      %swap3A_668 = arith.index_cast %add3A_637 : i32 to index
      %swap3A_669 = arith.constant 32 : index
      %swap3A_670 = tpu.vector_load %arg7[%swap3A_668, %swap3A_669] {strides = array<i32>} : memref<128x64xf32, #tpu.memory_space<vmem>>, vector<1x16xf32>,
      %swap3A_671 = vector.shape_cast %swap3A_670 : vector<1x16xf32> to vector<16xf32>
      %swap3A_672 = vector.shape_cast %mul3A_667 : vector<16xf32> to vector<1x16xf32>
      tpu.vector_store %arg7[%swap3A_668, %swap3A_669], %swap3A_672 {strides = array<i32>} : memref<128x64xf32, #tpu.memory_space<vmem>>, vector<1x16xf32>,
      %mul3A_673 = vector.broadcast %scan3A : f32 to vector<16xf32>
      %mul3A_674 = arith.mulf %scan3A_650#3, %mul3A_673 : vector<16xf32>
      %swap3A_675 = arith.index_cast %add3A_637 : i32 to index
      %swap3A_676 = arith.constant 48 : index
      %swap3A_677 = tpu.vector_load %arg7[%swap3A_675, %swap3A_676] {strides = array<i32>} : memref<128x64xf32, #tpu.memory_space<vmem>>, vector<1x16xf32>,
      %swap3A_678 = vector.shape_cast %swap3A_677 : vector<1x16xf32> to vector<16xf32>
      %swap3A_679 = vector.shape_cast %mul3A_674 : vector<16xf32> to vector<1x16xf32>
      tpu.vector_store %arg7[%swap3A_675, %swap3A_676], %swap3A_679 {strides = array<i32>} : memref<128x64xf32, #tpu.memory_space<vmem>>, vector<1x16xf32>,
      %add3A_680 = arith.constant 3 : i32
      %add3A_681 = arith.addi %mul3A_365, %add3A_680 : i32
      %add3A_682 = arith.constant 4 : i32
      %add3A_683 = arith.addi %add3A_681, %add3A_682 : i32
      %dma_start3A_684 = arith.constant 3 : i32
      %dma_start3A_685 = arith.constant 0 : i32
      %dma_start3A_686 = arith.constant 0 : i32
      %dma_start3A_687 = tpu.memref_slice %arg6[%dma_start3A_684, %dma_start3A_685, %dma_start3A_686] : memref<4x200x64xf32, #tpu.memory_space<vmem>> -> memref<1x128x64xf32, #tpu.memory_space<vmem>>
      %dma_start3A_688 = tpu.memref_squeeze %dma_start3A_687 : memref<1x128x64xf32, #tpu.memory_space<vmem>> -> memref<128x64xf32, #tpu.memory_space<vmem>>
      %dma_start3A_689 = arith.constant 0 : i32
      %dma_start3A_690 = tpu.memref_slice %arg5[%add3A_683, %dma_start3A_689] : memref<128x200xi32, #tpu.memory_space<vmem>> -> memref<1x128xi32, #tpu.memory_space<vmem>>
      %dma_start3A_691 = tpu.memref_squeeze %dma_start3A_690 : memref<1x128xi32, #tpu.memory_space<vmem>> -> memref<128xi32, #tpu.memory_space<vmem>>
      %dma_start3A_692 = arith.constant 0 : i32
      %dma_start3A_693 = arith.constant 0 : i32
      %dma_start3A_694 = tpu.memref_slice %arg3[%dma_start3A_692, %dma_start3A_693] : memref<1000000x64xf32, #tpu.memory_space<hbm>> -> memref<1000000x64xf32, #tpu.memory_space<hbm>>
      tpu.enqueue_indirect_dma source(%dma_start3A_694 : memref<1000000x64xf32, #tpu.memory_space<hbm>>) target(%dma_start3A_688 : memref<128x64xf32, #tpu.memory_space<vmem>>) offsets(%dma_start3A_691 : memref<128xi32, #tpu.memory_space<vmem>>) semaphore(%arg11 : memref<!tpu.dma_semaphore, #tpu.memory_space<semaphore_mem>>)
      %dma_start3A_695 = arith.constant 3 : i32
      %dma_start3A_696 = arith.constant 128 : i32
      %dma_start3A_697 = arith.constant 0 : i32
      %dma_start3A_698 = tpu.memref_slice %arg6[%dma_start3A_695, %dma_start3A_696, %dma_start3A_697] : memref<4x200x64xf32, #tpu.memory_space<vmem>> -> memref<1x72x64xf32, #tpu.memory_space<vmem>>
      %dma_start3A_699 = tpu.memref_squeeze %dma_start3A_698 : memref<1x72x64xf32, #tpu.memory_space<vmem>> -> memref<72x64xf32, #tpu.memory_space<vmem>>
      %dma_start3A_700 = arith.constant 128 : i32
      %dma_start3A_701 = tpu.memref_slice %arg5[%add3A_683, %dma_start3A_700] : memref<128x200xi32, #tpu.memory_space<vmem>> -> memref<1x72xi32, #tpu.memory_space<vmem>>
      %dma_start3A_702 = tpu.memref_squeeze %dma_start3A_701 : memref<1x72xi32, #tpu.memory_space<vmem>> -> memref<72xi32, #tpu.memory_space<vmem>>
      %dma_start3A_703 = arith.constant 0 : i32
      %dma_start3A_704 = arith.constant 0 : i32
      %dma_start3A_705 = tpu.memref_slice %arg3[%dma_start3A_703, %dma_start3A_704] : memref<1000000x64xf32, #tpu.memory_space<hbm>> -> memref<1000000x64xf32, #tpu.memory_space<hbm>>
      tpu.enqueue_indirect_dma source(%dma_start3A_705 : memref<1000000x64xf32, #tpu.memory_space<hbm>>) target(%dma_start3A_699 : memref<72x64xf32, #tpu.memory_space<vmem>>) offsets(%dma_start3A_702 : memref<72xi32, #tpu.memory_space<vmem>>) semaphore(%arg11 : memref<!tpu.dma_semaphore, #tpu.memory_space<semaphore_mem>>)
      %scan3A_706 = arith.constant 0 : i32
      scf.yield %scan3A_706 : i32
    }
    %scan3A_104 = arith.constant 31 : i32
    %dma_wait3A = arith.constant 0 : i32
    %dma_wait3A_105 = arith.constant 0 : i32
    %dma_wait3A_106 = arith.constant 0 : i32
    %dma_wait3A_107 = tpu.memref_slice %arg6[%dma_wait3A, %dma_wait3A_105, %dma_wait3A_106] : memref<4x200x64xf32, #tpu.memory_space<vmem>> -> memref<1x200x64xf32, #tpu.memory_space<vmem>>
    %dma_wait3A_108 = tpu.memref_squeeze %dma_wait3A_107 : memref<1x200x64xf32, #tpu.memory_space<vmem>> -> memref<200x64xf32, #tpu.memory_space<vmem>>
    %dma_wait3A_109 = arith.constant 0 : i32
    %dma_wait3A_110 = arith.constant 0 : i32
    %dma_wait3A_111 = tpu.memref_slice %arg3[%dma_wait3A_109, %dma_wait3A_110] : memref<1000000x64xf32, #tpu.memory_space<hbm>> -> memref<200x64xf32, #tpu.memory_space<hbm>>
    %dma_wait3A_112 = arith.constant 0 : i32
    %dma_wait3A_113 = arith.constant 0 : i32
    %dma_wait3A_114 = tpu.memref_slice %arg6[%dma_wait3A, %dma_wait3A_112, %dma_wait3A_113] : memref<4x200x64xf32, #tpu.memory_space<vmem>> -> memref<1x200x64xf32, #tpu.memory_space<vmem>>
    %dma_wait3A_115 = tpu.memref_squeeze %dma_wait3A_114 : memref<1x200x64xf32, #tpu.memory_space<vmem>> -> memref<200x64xf32, #tpu.memory_space<vmem>>
    %dma_wait3A_116 = arith.constant 0 : i32
    %dma_wait3A_117 = arith.constant 0 : i32
    %dma_wait3A_118 = tpu.memref_slice %arg3[%dma_wait3A_116, %dma_wait3A_117] : memref<1000000x64xf32, #tpu.memory_space<hbm>> -> memref<200x64xf32, #tpu.memory_space<hbm>>
    tpu.wait_dma2 semaphore(%arg8 : memref<!tpu.dma_semaphore, #tpu.memory_space<semaphore_mem>>) src(%dma_wait3A_118 : memref<200x64xf32, #tpu.memory_space<hbm>>) dst(%dma_wait3A_115 : memref<200x64xf32, #tpu.memory_space<vmem>>)
    %broadcast_in_dim3A = arith.constant 0.000000e+00 : f32
    %broadcast_in_dim3A_119 = vector.broadcast %broadcast_in_dim3A : f32 to vector<16xf32>
    %broadcast_in_dim3A_120 = arith.constant 0.000000e+00 : f32
    %broadcast_in_dim3A_121 = vector.broadcast %broadcast_in_dim3A_120 : f32 to vector<16xf32>
    %broadcast_in_dim3A_122 = arith.constant 0.000000e+00 : f32
    %broadcast_in_dim3A_123 = vector.broadcast %broadcast_in_dim3A_122 : f32 to vector<16xf32>
    %broadcast_in_dim3A_124 = arith.constant 0.000000e+00 : f32
    %broadcast_in_dim3A_125 = vector.broadcast %broadcast_in_dim3A_124 : f32 to vector<16xf32>
    %scan3A_126 = arith.constant 0 : i32
    %scan3A_127 = arith.constant 200 : i32
    %scan3A_128 = arith.addi %scan3A_126, %scan3A_127 : i32
    %scan3A_129 = arith.constant 2 : i32
    %scan3A_130:4 = scf.for %scan3A_362 = %scan3A_126 to %scan3A_128 step %scan3A_129 iter_args(%scan3A_363 = %broadcast_in_dim3A_119, %scan3A_364 = %broadcast_in_dim3A_121, %scan3A_365 = %broadcast_in_dim3A_123, %scan3A_366 = %broadcast_in_dim3A_125) -> (vector<16xf32>, vector<16xf32>, vector<16xf32>, vector<16xf32>)  : i32 {
      %get3A = arith.constant 0 : i32
      %get3A_367 = arith.index_cast %get3A : i32 to index
      %get3A_368 = arith.index_cast %scan3A_362 : i32 to index
      %get3A_369 = arith.constant 0 : index
      %get3A_370 = tpu.vector_load %arg6[%get3A_367, %get3A_368, %get3A_369] {strides = array<i32>} : memref<4x200x64xf32, #tpu.memory_space<vmem>>, vector<1x1x16xf32>,
      %get3A_371 = vector.shape_cast %get3A_370 : vector<1x1x16xf32> to vector<16xf32>
      %add3A_372 = arith.addf %scan3A_363, %get3A_371 : vector<16xf32>
      %get3A_373 = arith.constant 0 : i32
      %get3A_374 = arith.index_cast %get3A_373 : i32 to index
      %get3A_375 = arith.index_cast %scan3A_362 : i32 to index
      %get3A_376 = arith.constant 16 : index
      %get3A_377 = tpu.vector_load %arg6[%get3A_374, %get3A_375, %get3A_376] {strides = array<i32>} : memref<4x200x64xf32, #tpu.memory_space<vmem>>, vector<1x1x16xf32>,
      %get3A_378 = vector.shape_cast %get3A_377 : vector<1x1x16xf32> to vector<16xf32>
      %add3A_379 = arith.addf %scan3A_364, %get3A_378 : vector<16xf32>
      %get3A_380 = arith.constant 0 : i32
      %get3A_381 = arith.index_cast %get3A_380 : i32 to index
      %get3A_382 = arith.index_cast %scan3A_362 : i32 to index
      %get3A_383 = arith.constant 32 : index
      %get3A_384 = tpu.vector_load %arg6[%get3A_381, %get3A_382, %get3A_383] {strides = array<i32>} : memref<4x200x64xf32, #tpu.memory_space<vmem>>, vector<1x1x16xf32>,
      %get3A_385 = vector.shape_cast %get3A_384 : vector<1x1x16xf32> to vector<16xf32>
      %add3A_386 = arith.addf %scan3A_365, %get3A_385 : vector<16xf32>
      %get3A_387 = arith.constant 0 : i32
      %get3A_388 = arith.index_cast %get3A_387 : i32 to index
      %get3A_389 = arith.index_cast %scan3A_362 : i32 to index
      %get3A_390 = arith.constant 48 : index
      %get3A_391 = tpu.vector_load %arg6[%get3A_388, %get3A_389, %get3A_390] {strides = array<i32>} : memref<4x200x64xf32, #tpu.memory_space<vmem>>, vector<1x1x16xf32>,
      %get3A_392 = vector.shape_cast %get3A_391 : vector<1x1x16xf32> to vector<16xf32>
      %add3A_393 = arith.addf %scan3A_366, %get3A_392 : vector<16xf32>
      %scan3A_394 = arith.constant 1 : i32
      %scan3A_395 = arith.addi %scan3A_362, %scan3A_394 : i32
      %get3A_396 = arith.constant 0 : i32
      %get3A_397 = arith.index_cast %get3A_396 : i32 to index
      %get3A_398 = arith.index_cast %scan3A_395 : i32 to index
      %get3A_399 = arith.constant 0 : index
      %get3A_400 = tpu.vector_load %arg6[%get3A_397, %get3A_398, %get3A_399] {strides = array<i32>} : memref<4x200x64xf32, #tpu.memory_space<vmem>>, vector<1x1x16xf32>,
      %get3A_401 = vector.shape_cast %get3A_400 : vector<1x1x16xf32> to vector<16xf32>
      %add3A_402 = arith.addf %add3A_372, %get3A_401 : vector<16xf32>
      %get3A_403 = arith.constant 0 : i32
      %get3A_404 = arith.index_cast %get3A_403 : i32 to index
      %get3A_405 = arith.index_cast %scan3A_395 : i32 to index
      %get3A_406 = arith.constant 16 : index
      %get3A_407 = tpu.vector_load %arg6[%get3A_404, %get3A_405, %get3A_406] {strides = array<i32>} : memref<4x200x64xf32, #tpu.memory_space<vmem>>, vector<1x1x16xf32>,
      %get3A_408 = vector.shape_cast %get3A_407 : vector<1x1x16xf32> to vector<16xf32>
      %add3A_409 = arith.addf %add3A_379, %get3A_408 : vector<16xf32>
      %get3A_410 = arith.constant 0 : i32
      %get3A_411 = arith.index_cast %get3A_410 : i32 to index
      %get3A_412 = arith.index_cast %scan3A_395 : i32 to index
      %get3A_413 = arith.constant 32 : index
      %get3A_414 = tpu.vector_load %arg6[%get3A_411, %get3A_412, %get3A_413] {strides = array<i32>} : memref<4x200x64xf32, #tpu.memory_space<vmem>>, vector<1x1x16xf32>,
      %get3A_415 = vector.shape_cast %get3A_414 : vector<1x1x16xf32> to vector<16xf32>
      %add3A_416 = arith.addf %add3A_386, %get3A_415 : vector<16xf32>
      %get3A_417 = arith.constant 0 : i32
      %get3A_418 = arith.index_cast %get3A_417 : i32 to index
      %get3A_419 = arith.index_cast %scan3A_395 : i32 to index
      %get3A_420 = arith.constant 48 : index
      %get3A_421 = tpu.vector_load %arg6[%get3A_418, %get3A_419, %get3A_420] {strides = array<i32>} : memref<4x200x64xf32, #tpu.memory_space<vmem>>, vector<1x1x16xf32>,
      %get3A_422 = vector.shape_cast %get3A_421 : vector<1x1x16xf32> to vector<16xf32>
      %add3A_423 = arith.addf %add3A_393, %get3A_422 : vector<16xf32>
      scf.yield %add3A_402, %add3A_409, %add3A_416, %add3A_423 : vector<16xf32>, vector<16xf32>, vector<16xf32>, vector<16xf32>
    }
    %scan3A_131 = arith.constant 200 : i32
    %mul3A_132 = arith.constant 5.000000e-03 : f32
    %mul3A_133 = vector.broadcast %mul3A_132 : f32 to vector<16xf32>
    %mul3A_134 = arith.mulf %scan3A_130#0, %mul3A_133 : vector<16xf32>
    %swap3A = arith.constant 124 : i32
    %swap3A_135 = arith.index_cast %swap3A : i32 to index
    %swap3A_136 = arith.constant 0 : index
    %swap3A_137 = tpu.vector_load %arg7[%swap3A_135, %swap3A_136] {strides = array<i32>} : memref<128x64xf32, #tpu.memory_space<vmem>>, vector<1x16xf32>,
    %swap3A_138 = vector.shape_cast %swap3A_137 : vector<1x16xf32> to vector<16xf32>
    %swap3A_139 = vector.shape_cast %mul3A_134 : vector<16xf32> to vector<1x16xf32>
    tpu.vector_store %arg7[%swap3A_135, %swap3A_136], %swap3A_139 {strides = array<i32>} : memref<128x64xf32, #tpu.memory_space<vmem>>, vector<1x16xf32>,
    %mul3A_140 = arith.constant 5.000000e-03 : f32
    %mul3A_141 = vector.broadcast %mul3A_140 : f32 to vector<16xf32>
    %mul3A_142 = arith.mulf %scan3A_130#1, %mul3A_141 : vector<16xf32>
    %swap3A_143 = arith.constant 124 : i32
    %swap3A_144 = arith.index_cast %swap3A_143 : i32 to index
    %swap3A_145 = arith.constant 16 : index
    %swap3A_146 = tpu.vector_load %arg7[%swap3A_144, %swap3A_145] {strides = array<i32>} : memref<128x64xf32, #tpu.memory_space<vmem>>, vector<1x16xf32>,
    %swap3A_147 = vector.shape_cast %swap3A_146 : vector<1x16xf32> to vector<16xf32>
    %swap3A_148 = vector.shape_cast %mul3A_142 : vector<16xf32> to vector<1x16xf32>
    tpu.vector_store %arg7[%swap3A_144, %swap3A_145], %swap3A_148 {strides = array<i32>} : memref<128x64xf32, #tpu.memory_space<vmem>>, vector<1x16xf32>,
    %mul3A_149 = arith.constant 5.000000e-03 : f32
    %mul3A_150 = vector.broadcast %mul3A_149 : f32 to vector<16xf32>
    %mul3A_151 = arith.mulf %scan3A_130#2, %mul3A_150 : vector<16xf32>
    %swap3A_152 = arith.constant 124 : i32
    %swap3A_153 = arith.index_cast %swap3A_152 : i32 to index
    %swap3A_154 = arith.constant 32 : index
    %swap3A_155 = tpu.vector_load %arg7[%swap3A_153, %swap3A_154] {strides = array<i32>} : memref<128x64xf32, #tpu.memory_space<vmem>>, vector<1x16xf32>,
    %swap3A_156 = vector.shape_cast %swap3A_155 : vector<1x16xf32> to vector<16xf32>
    %swap3A_157 = vector.shape_cast %mul3A_151 : vector<16xf32> to vector<1x16xf32>
    tpu.vector_store %arg7[%swap3A_153, %swap3A_154], %swap3A_157 {strides = array<i32>} : memref<128x64xf32, #tpu.memory_space<vmem>>, vector<1x16xf32>,
    %mul3A_158 = arith.constant 5.000000e-03 : f32
    %mul3A_159 = vector.broadcast %mul3A_158 : f32 to vector<16xf32>
    %mul3A_160 = arith.mulf %scan3A_130#3, %mul3A_159 : vector<16xf32>
    %swap3A_161 = arith.constant 124 : i32
    %swap3A_162 = arith.index_cast %swap3A_161 : i32 to index
    %swap3A_163 = arith.constant 48 : index
    %swap3A_164 = tpu.vector_load %arg7[%swap3A_162, %swap3A_163] {strides = array<i32>} : memref<128x64xf32, #tpu.memory_space<vmem>>, vector<1x16xf32>,
    %swap3A_165 = vector.shape_cast %swap3A_164 : vector<1x16xf32> to vector<16xf32>
    %swap3A_166 = vector.shape_cast %mul3A_160 : vector<16xf32> to vector<1x16xf32>
    tpu.vector_store %arg7[%swap3A_162, %swap3A_163], %swap3A_166 {strides = array<i32>} : memref<128x64xf32, #tpu.memory_space<vmem>>, vector<1x16xf32>,
    %dma_wait3A_167 = arith.constant 1 : i32
    %dma_wait3A_168 = arith.constant 0 : i32
    %dma_wait3A_169 = arith.constant 0 : i32
    %dma_wait3A_170 = tpu.memref_slice %arg6[%dma_wait3A_167, %dma_wait3A_168, %dma_wait3A_169] : memref<4x200x64xf32, #tpu.memory_space<vmem>> -> memref<1x200x64xf32, #tpu.memory_space<vmem>>
    %dma_wait3A_171 = tpu.memref_squeeze %dma_wait3A_170 : memref<1x200x64xf32, #tpu.memory_space<vmem>> -> memref<200x64xf32, #tpu.memory_space<vmem>>
    %dma_wait3A_172 = arith.constant 0 : i32
    %dma_wait3A_173 = arith.constant 0 : i32
    %dma_wait3A_174 = tpu.memref_slice %arg3[%dma_wait3A_172, %dma_wait3A_173] : memref<1000000x64xf32, #tpu.memory_space<hbm>> -> memref<200x64xf32, #tpu.memory_space<hbm>>
    %dma_wait3A_175 = arith.constant 0 : i32
    %dma_wait3A_176 = arith.constant 0 : i32
    %dma_wait3A_177 = tpu.memref_slice %arg6[%dma_wait3A_167, %dma_wait3A_175, %dma_wait3A_176] : memref<4x200x64xf32, #tpu.memory_space<vmem>> -> memref<1x200x64xf32, #tpu.memory_space<vmem>>
    %dma_wait3A_178 = tpu.memref_squeeze %dma_wait3A_177 : memref<1x200x64xf32, #tpu.memory_space<vmem>> -> memref<200x64xf32, #tpu.memory_space<vmem>>
    %dma_wait3A_179 = arith.constant 0 : i32
    %dma_wait3A_180 = arith.constant 0 : i32
    %dma_wait3A_181 = tpu.memref_slice %arg3[%dma_wait3A_179, %dma_wait3A_180] : memref<1000000x64xf32, #tpu.memory_space<hbm>> -> memref<200x64xf32, #tpu.memory_space<hbm>>
    tpu.wait_dma2 semaphore(%arg9 : memref<!tpu.dma_semaphore, #tpu.memory_space<semaphore_mem>>) src(%dma_wait3A_181 : memref<200x64xf32, #tpu.memory_space<hbm>>) dst(%dma_wait3A_178 : memref<200x64xf32, #tpu.memory_space<vmem>>)
    %broadcast_in_dim3A_182 = arith.constant 0.000000e+00 : f32
    %broadcast_in_dim3A_183 = vector.broadcast %broadcast_in_dim3A_182 : f32 to vector<16xf32>
    %broadcast_in_dim3A_184 = arith.constant 0.000000e+00 : f32
    %broadcast_in_dim3A_185 = vector.broadcast %broadcast_in_dim3A_184 : f32 to vector<16xf32>
    %broadcast_in_dim3A_186 = arith.constant 0.000000e+00 : f32
    %broadcast_in_dim3A_187 = vector.broadcast %broadcast_in_dim3A_186 : f32 to vector<16xf32>
    %broadcast_in_dim3A_188 = arith.constant 0.000000e+00 : f32
    %broadcast_in_dim3A_189 = vector.broadcast %broadcast_in_dim3A_188 : f32 to vector<16xf32>
    %scan3A_190 = arith.constant 0 : i32
    %scan3A_191 = arith.constant 200 : i32
    %scan3A_192 = arith.addi %scan3A_190, %scan3A_191 : i32
    %scan3A_193 = arith.constant 2 : i32
    %scan3A_194:4 = scf.for %scan3A_362 = %scan3A_190 to %scan3A_192 step %scan3A_193 iter_args(%scan3A_363 = %broadcast_in_dim3A_183, %scan3A_364 = %broadcast_in_dim3A_185, %scan3A_365 = %broadcast_in_dim3A_187, %scan3A_366 = %broadcast_in_dim3A_189) -> (vector<16xf32>, vector<16xf32>, vector<16xf32>, vector<16xf32>)  : i32 {
      %get3A = arith.constant 1 : i32
      %get3A_367 = arith.index_cast %get3A : i32 to index
      %get3A_368 = arith.index_cast %scan3A_362 : i32 to index
      %get3A_369 = arith.constant 0 : index
      %get3A_370 = tpu.vector_load %arg6[%get3A_367, %get3A_368, %get3A_369] {strides = array<i32>} : memref<4x200x64xf32, #tpu.memory_space<vmem>>, vector<1x1x16xf32>,
      %get3A_371 = vector.shape_cast %get3A_370 : vector<1x1x16xf32> to vector<16xf32>
      %add3A_372 = arith.addf %scan3A_363, %get3A_371 : vector<16xf32>
      %get3A_373 = arith.constant 1 : i32
      %get3A_374 = arith.index_cast %get3A_373 : i32 to index
      %get3A_375 = arith.index_cast %scan3A_362 : i32 to index
      %get3A_376 = arith.constant 16 : index
      %get3A_377 = tpu.vector_load %arg6[%get3A_374, %get3A_375, %get3A_376] {strides = array<i32>} : memref<4x200x64xf32, #tpu.memory_space<vmem>>, vector<1x1x16xf32>,
      %get3A_378 = vector.shape_cast %get3A_377 : vector<1x1x16xf32> to vector<16xf32>
      %add3A_379 = arith.addf %scan3A_364, %get3A_378 : vector<16xf32>
      %get3A_380 = arith.constant 1 : i32
      %get3A_381 = arith.index_cast %get3A_380 : i32 to index
      %get3A_382 = arith.index_cast %scan3A_362 : i32 to index
      %get3A_383 = arith.constant 32 : index
      %get3A_384 = tpu.vector_load %arg6[%get3A_381, %get3A_382, %get3A_383] {strides = array<i32>} : memref<4x200x64xf32, #tpu.memory_space<vmem>>, vector<1x1x16xf32>,
      %get3A_385 = vector.shape_cast %get3A_384 : vector<1x1x16xf32> to vector<16xf32>
      %add3A_386 = arith.addf %scan3A_365, %get3A_385 : vector<16xf32>
      %get3A_387 = arith.constant 1 : i32
      %get3A_388 = arith.index_cast %get3A_387 : i32 to index
      %get3A_389 = arith.index_cast %scan3A_362 : i32 to index
      %get3A_390 = arith.constant 48 : index
      %get3A_391 = tpu.vector_load %arg6[%get3A_388, %get3A_389, %get3A_390] {strides = array<i32>} : memref<4x200x64xf32, #tpu.memory_space<vmem>>, vector<1x1x16xf32>,
      %get3A_392 = vector.shape_cast %get3A_391 : vector<1x1x16xf32> to vector<16xf32>
      %add3A_393 = arith.addf %scan3A_366, %get3A_392 : vector<16xf32>
      %scan3A_394 = arith.constant 1 : i32
      %scan3A_395 = arith.addi %scan3A_362, %scan3A_394 : i32
      %get3A_396 = arith.constant 1 : i32
      %get3A_397 = arith.index_cast %get3A_396 : i32 to index
      %get3A_398 = arith.index_cast %scan3A_395 : i32 to index
      %get3A_399 = arith.constant 0 : index
      %get3A_400 = tpu.vector_load %arg6[%get3A_397, %get3A_398, %get3A_399] {strides = array<i32>} : memref<4x200x64xf32, #tpu.memory_space<vmem>>, vector<1x1x16xf32>,
      %get3A_401 = vector.shape_cast %get3A_400 : vector<1x1x16xf32> to vector<16xf32>
      %add3A_402 = arith.addf %add3A_372, %get3A_401 : vector<16xf32>
      %get3A_403 = arith.constant 1 : i32
      %get3A_404 = arith.index_cast %get3A_403 : i32 to index
      %get3A_405 = arith.index_cast %scan3A_395 : i32 to index
      %get3A_406 = arith.constant 16 : index
      %get3A_407 = tpu.vector_load %arg6[%get3A_404, %get3A_405, %get3A_406] {strides = array<i32>} : memref<4x200x64xf32, #tpu.memory_space<vmem>>, vector<1x1x16xf32>,
      %get3A_408 = vector.shape_cast %get3A_407 : vector<1x1x16xf32> to vector<16xf32>
      %add3A_409 = arith.addf %add3A_379, %get3A_408 : vector<16xf32>
      %get3A_410 = arith.constant 1 : i32
      %get3A_411 = arith.index_cast %get3A_410 : i32 to index
      %get3A_412 = arith.index_cast %scan3A_395 : i32 to index
      %get3A_413 = arith.constant 32 : index
      %get3A_414 = tpu.vector_load %arg6[%get3A_411, %get3A_412, %get3A_413] {strides = array<i32>} : memref<4x200x64xf32, #tpu.memory_space<vmem>>, vector<1x1x16xf32>,
      %get3A_415 = vector.shape_cast %get3A_414 : vector<1x1x16xf32> to vector<16xf32>
      %add3A_416 = arith.addf %add3A_386, %get3A_415 : vector<16xf32>
      %get3A_417 = arith.constant 1 : i32
      %get3A_418 = arith.index_cast %get3A_417 : i32 to index
      %get3A_419 = arith.index_cast %scan3A_395 : i32 to index
      %get3A_420 = arith.constant 48 : index
      %get3A_421 = tpu.vector_load %arg6[%get3A_418, %get3A_419, %get3A_420] {strides = array<i32>} : memref<4x200x64xf32, #tpu.memory_space<vmem>>, vector<1x1x16xf32>,
      %get3A_422 = vector.shape_cast %get3A_421 : vector<1x1x16xf32> to vector<16xf32>
      %add3A_423 = arith.addf %add3A_393, %get3A_422 : vector<16xf32>
      scf.yield %add3A_402, %add3A_409, %add3A_416, %add3A_423 : vector<16xf32>, vector<16xf32>, vector<16xf32>, vector<16xf32>
    }
    %scan3A_195 = arith.constant 200 : i32
    %mul3A_196 = arith.constant 5.000000e-03 : f32
    %mul3A_197 = vector.broadcast %mul3A_196 : f32 to vector<16xf32>
    %mul3A_198 = arith.mulf %scan3A_194#0, %mul3A_197 : vector<16xf32>
    %swap3A_199 = arith.constant 125 : i32
    %swap3A_200 = arith.index_cast %swap3A_199 : i32 to index
    %swap3A_201 = arith.constant 0 : index
    %swap3A_202 = tpu.vector_load %arg7[%swap3A_200, %swap3A_201] {strides = array<i32>} : memref<128x64xf32, #tpu.memory_space<vmem>>, vector<1x16xf32>,
    %swap3A_203 = vector.shape_cast %swap3A_202 : vector<1x16xf32> to vector<16xf32>
    %swap3A_204 = vector.shape_cast %mul3A_198 : vector<16xf32> to vector<1x16xf32>
    tpu.vector_store %arg7[%swap3A_200, %swap3A_201], %swap3A_204 {strides = array<i32>} : memref<128x64xf32, #tpu.memory_space<vmem>>, vector<1x16xf32>,
    %mul3A_205 = arith.constant 5.000000e-03 : f32
    %mul3A_206 = vector.broadcast %mul3A_205 : f32 to vector<16xf32>
    %mul3A_207 = arith.mulf %scan3A_194#1, %mul3A_206 : vector<16xf32>
    %swap3A_208 = arith.constant 125 : i32
    %swap3A_209 = arith.index_cast %swap3A_208 : i32 to index
    %swap3A_210 = arith.constant 16 : index
    %swap3A_211 = tpu.vector_load %arg7[%swap3A_209, %swap3A_210] {strides = array<i32>} : memref<128x64xf32, #tpu.memory_space<vmem>>, vector<1x16xf32>,
    %swap3A_212 = vector.shape_cast %swap3A_211 : vector<1x16xf32> to vector<16xf32>
    %swap3A_213 = vector.shape_cast %mul3A_207 : vector<16xf32> to vector<1x16xf32>
    tpu.vector_store %arg7[%swap3A_209, %swap3A_210], %swap3A_213 {strides = array<i32>} : memref<128x64xf32, #tpu.memory_space<vmem>>, vector<1x16xf32>,
    %mul3A_214 = arith.constant 5.000000e-03 : f32
    %mul3A_215 = vector.broadcast %mul3A_214 : f32 to vector<16xf32>
    %mul3A_216 = arith.mulf %scan3A_194#2, %mul3A_215 : vector<16xf32>
    %swap3A_217 = arith.constant 125 : i32
    %swap3A_218 = arith.index_cast %swap3A_217 : i32 to index
    %swap3A_219 = arith.constant 32 : index
    %swap3A_220 = tpu.vector_load %arg7[%swap3A_218, %swap3A_219] {strides = array<i32>} : memref<128x64xf32, #tpu.memory_space<vmem>>, vector<1x16xf32>,
    %swap3A_221 = vector.shape_cast %swap3A_220 : vector<1x16xf32> to vector<16xf32>
    %swap3A_222 = vector.shape_cast %mul3A_216 : vector<16xf32> to vector<1x16xf32>
    tpu.vector_store %arg7[%swap3A_218, %swap3A_219], %swap3A_222 {strides = array<i32>} : memref<128x64xf32, #tpu.memory_space<vmem>>, vector<1x16xf32>,
    %mul3A_223 = arith.constant 5.000000e-03 : f32
    %mul3A_224 = vector.broadcast %mul3A_223 : f32 to vector<16xf32>
    %mul3A_225 = arith.mulf %scan3A_194#3, %mul3A_224 : vector<16xf32>
    %swap3A_226 = arith.constant 125 : i32
    %swap3A_227 = arith.index_cast %swap3A_226 : i32 to index
    %swap3A_228 = arith.constant 48 : index
    %swap3A_229 = tpu.vector_load %arg7[%swap3A_227, %swap3A_228] {strides = array<i32>} : memref<128x64xf32, #tpu.memory_space<vmem>>, vector<1x16xf32>,
    %swap3A_230 = vector.shape_cast %swap3A_229 : vector<1x16xf32> to vector<16xf32>
    %swap3A_231 = vector.shape_cast %mul3A_225 : vector<16xf32> to vector<1x16xf32>
    tpu.vector_store %arg7[%swap3A_227, %swap3A_228], %swap3A_231 {strides = array<i32>} : memref<128x64xf32, #tpu.memory_space<vmem>>, vector<1x16xf32>,
    %dma_wait3A_232 = arith.constant 2 : i32
    %dma_wait3A_233 = arith.constant 0 : i32
    %dma_wait3A_234 = arith.constant 0 : i32
    %dma_wait3A_235 = tpu.memref_slice %arg6[%dma_wait3A_232, %dma_wait3A_233, %dma_wait3A_234] : memref<4x200x64xf32, #tpu.memory_space<vmem>> -> memref<1x200x64xf32, #tpu.memory_space<vmem>>
    %dma_wait3A_236 = tpu.memref_squeeze %dma_wait3A_235 : memref<1x200x64xf32, #tpu.memory_space<vmem>> -> memref<200x64xf32, #tpu.memory_space<vmem>>
    %dma_wait3A_237 = arith.constant 0 : i32
    %dma_wait3A_238 = arith.constant 0 : i32
    %dma_wait3A_239 = tpu.memref_slice %arg3[%dma_wait3A_237, %dma_wait3A_238] : memref<1000000x64xf32, #tpu.memory_space<hbm>> -> memref<200x64xf32, #tpu.memory_space<hbm>>
    %dma_wait3A_240 = arith.constant 0 : i32
    %dma_wait3A_241 = arith.constant 0 : i32
    %dma_wait3A_242 = tpu.memref_slice %arg6[%dma_wait3A_232, %dma_wait3A_240, %dma_wait3A_241] : memref<4x200x64xf32, #tpu.memory_space<vmem>> -> memref<1x200x64xf32, #tpu.memory_space<vmem>>
    %dma_wait3A_243 = tpu.memref_squeeze %dma_wait3A_242 : memref<1x200x64xf32, #tpu.memory_space<vmem>> -> memref<200x64xf32, #tpu.memory_space<vmem>>
    %dma_wait3A_244 = arith.constant 0 : i32
    %dma_wait3A_245 = arith.constant 0 : i32
    %dma_wait3A_246 = tpu.memref_slice %arg3[%dma_wait3A_244, %dma_wait3A_245] : memref<1000000x64xf32, #tpu.memory_space<hbm>> -> memref<200x64xf32, #tpu.memory_space<hbm>>
    tpu.wait_dma2 semaphore(%arg10 : memref<!tpu.dma_semaphore, #tpu.memory_space<semaphore_mem>>) src(%dma_wait3A_246 : memref<200x64xf32, #tpu.memory_space<hbm>>) dst(%dma_wait3A_243 : memref<200x64xf32, #tpu.memory_space<vmem>>)
    %broadcast_in_dim3A_247 = arith.constant 0.000000e+00 : f32
    %broadcast_in_dim3A_248 = vector.broadcast %broadcast_in_dim3A_247 : f32 to vector<16xf32>
    %broadcast_in_dim3A_249 = arith.constant 0.000000e+00 : f32
    %broadcast_in_dim3A_250 = vector.broadcast %broadcast_in_dim3A_249 : f32 to vector<16xf32>
    %broadcast_in_dim3A_251 = arith.constant 0.000000e+00 : f32
    %broadcast_in_dim3A_252 = vector.broadcast %broadcast_in_dim3A_251 : f32 to vector<16xf32>
    %broadcast_in_dim3A_253 = arith.constant 0.000000e+00 : f32
    %broadcast_in_dim3A_254 = vector.broadcast %broadcast_in_dim3A_253 : f32 to vector<16xf32>
    %scan3A_255 = arith.constant 0 : i32
    %scan3A_256 = arith.constant 200 : i32
    %scan3A_257 = arith.addi %scan3A_255, %scan3A_256 : i32
    %scan3A_258 = arith.constant 2 : i32
    %scan3A_259:4 = scf.for %scan3A_362 = %scan3A_255 to %scan3A_257 step %scan3A_258 iter_args(%scan3A_363 = %broadcast_in_dim3A_248, %scan3A_364 = %broadcast_in_dim3A_250, %scan3A_365 = %broadcast_in_dim3A_252, %scan3A_366 = %broadcast_in_dim3A_254) -> (vector<16xf32>, vector<16xf32>, vector<16xf32>, vector<16xf32>)  : i32 {
      %get3A = arith.constant 2 : i32
      %get3A_367 = arith.index_cast %get3A : i32 to index
      %get3A_368 = arith.index_cast %scan3A_362 : i32 to index
      %get3A_369 = arith.constant 0 : index
      %get3A_370 = tpu.vector_load %arg6[%get3A_367, %get3A_368, %get3A_369] {strides = array<i32>} : memref<4x200x64xf32, #tpu.memory_space<vmem>>, vector<1x1x16xf32>,
      %get3A_371 = vector.shape_cast %get3A_370 : vector<1x1x16xf32> to vector<16xf32>
      %add3A_372 = arith.addf %scan3A_363, %get3A_371 : vector<16xf32>
      %get3A_373 = arith.constant 2 : i32
      %get3A_374 = arith.index_cast %get3A_373 : i32 to index
      %get3A_375 = arith.index_cast %scan3A_362 : i32 to index
      %get3A_376 = arith.constant 16 : index
      %get3A_377 = tpu.vector_load %arg6[%get3A_374, %get3A_375, %get3A_376] {strides = array<i32>} : memref<4x200x64xf32, #tpu.memory_space<vmem>>, vector<1x1x16xf32>,
      %get3A_378 = vector.shape_cast %get3A_377 : vector<1x1x16xf32> to vector<16xf32>
      %add3A_379 = arith.addf %scan3A_364, %get3A_378 : vector<16xf32>
      %get3A_380 = arith.constant 2 : i32
      %get3A_381 = arith.index_cast %get3A_380 : i32 to index
      %get3A_382 = arith.index_cast %scan3A_362 : i32 to index
      %get3A_383 = arith.constant 32 : index
      %get3A_384 = tpu.vector_load %arg6[%get3A_381, %get3A_382, %get3A_383] {strides = array<i32>} : memref<4x200x64xf32, #tpu.memory_space<vmem>>, vector<1x1x16xf32>,
      %get3A_385 = vector.shape_cast %get3A_384 : vector<1x1x16xf32> to vector<16xf32>
      %add3A_386 = arith.addf %scan3A_365, %get3A_385 : vector<16xf32>
      %get3A_387 = arith.constant 2 : i32
      %get3A_388 = arith.index_cast %get3A_387 : i32 to index
      %get3A_389 = arith.index_cast %scan3A_362 : i32 to index
      %get3A_390 = arith.constant 48 : index
      %get3A_391 = tpu.vector_load %arg6[%get3A_388, %get3A_389, %get3A_390] {strides = array<i32>} : memref<4x200x64xf32, #tpu.memory_space<vmem>>, vector<1x1x16xf32>,
      %get3A_392 = vector.shape_cast %get3A_391 : vector<1x1x16xf32> to vector<16xf32>
      %add3A_393 = arith.addf %scan3A_366, %get3A_392 : vector<16xf32>
      %scan3A_394 = arith.constant 1 : i32
      %scan3A_395 = arith.addi %scan3A_362, %scan3A_394 : i32
      %get3A_396 = arith.constant 2 : i32
      %get3A_397 = arith.index_cast %get3A_396 : i32 to index
      %get3A_398 = arith.index_cast %scan3A_395 : i32 to index
      %get3A_399 = arith.constant 0 : index
      %get3A_400 = tpu.vector_load %arg6[%get3A_397, %get3A_398, %get3A_399] {strides = array<i32>} : memref<4x200x64xf32, #tpu.memory_space<vmem>>, vector<1x1x16xf32>,
      %get3A_401 = vector.shape_cast %get3A_400 : vector<1x1x16xf32> to vector<16xf32>
      %add3A_402 = arith.addf %add3A_372, %get3A_401 : vector<16xf32>
      %get3A_403 = arith.constant 2 : i32
      %get3A_404 = arith.index_cast %get3A_403 : i32 to index
      %get3A_405 = arith.index_cast %scan3A_395 : i32 to index
      %get3A_406 = arith.constant 16 : index
      %get3A_407 = tpu.vector_load %arg6[%get3A_404, %get3A_405, %get3A_406] {strides = array<i32>} : memref<4x200x64xf32, #tpu.memory_space<vmem>>, vector<1x1x16xf32>,
      %get3A_408 = vector.shape_cast %get3A_407 : vector<1x1x16xf32> to vector<16xf32>
      %add3A_409 = arith.addf %add3A_379, %get3A_408 : vector<16xf32>
      %get3A_410 = arith.constant 2 : i32
      %get3A_411 = arith.index_cast %get3A_410 : i32 to index
      %get3A_412 = arith.index_cast %scan3A_395 : i32 to index
      %get3A_413 = arith.constant 32 : index
      %get3A_414 = tpu.vector_load %arg6[%get3A_411, %get3A_412, %get3A_413] {strides = array<i32>} : memref<4x200x64xf32, #tpu.memory_space<vmem>>, vector<1x1x16xf32>,
      %get3A_415 = vector.shape_cast %get3A_414 : vector<1x1x16xf32> to vector<16xf32>
      %add3A_416 = arith.addf %add3A_386, %get3A_415 : vector<16xf32>
      %get3A_417 = arith.constant 2 : i32
      %get3A_418 = arith.index_cast %get3A_417 : i32 to index
      %get3A_419 = arith.index_cast %scan3A_395 : i32 to index
      %get3A_420 = arith.constant 48 : index
      %get3A_421 = tpu.vector_load %arg6[%get3A_418, %get3A_419, %get3A_420] {strides = array<i32>} : memref<4x200x64xf32, #tpu.memory_space<vmem>>, vector<1x1x16xf32>,
      %get3A_422 = vector.shape_cast %get3A_421 : vector<1x1x16xf32> to vector<16xf32>
      %add3A_423 = arith.addf %add3A_393, %get3A_422 : vector<16xf32>
      scf.yield %add3A_402, %add3A_409, %add3A_416, %add3A_423 : vector<16xf32>, vector<16xf32>, vector<16xf32>, vector<16xf32>
    }
    %scan3A_260 = arith.constant 200 : i32
    %mul3A_261 = arith.constant 5.000000e-03 : f32
    %mul3A_262 = vector.broadcast %mul3A_261 : f32 to vector<16xf32>
    %mul3A_263 = arith.mulf %scan3A_259#0, %mul3A_262 : vector<16xf32>
    %swap3A_264 = arith.constant 126 : i32
    %swap3A_265 = arith.index_cast %swap3A_264 : i32 to index
    %swap3A_266 = arith.constant 0 : index
    %swap3A_267 = tpu.vector_load %arg7[%swap3A_265, %swap3A_266] {strides = array<i32>} : memref<128x64xf32, #tpu.memory_space<vmem>>, vector<1x16xf32>,
    %swap3A_268 = vector.shape_cast %swap3A_267 : vector<1x16xf32> to vector<16xf32>
    %swap3A_269 = vector.shape_cast %mul3A_263 : vector<16xf32> to vector<1x16xf32>
    tpu.vector_store %arg7[%swap3A_265, %swap3A_266], %swap3A_269 {strides = array<i32>} : memref<128x64xf32, #tpu.memory_space<vmem>>, vector<1x16xf32>,
    %mul3A_270 = arith.constant 5.000000e-03 : f32
    %mul3A_271 = vector.broadcast %mul3A_270 : f32 to vector<16xf32>
    %mul3A_272 = arith.mulf %scan3A_259#1, %mul3A_271 : vector<16xf32>
    %swap3A_273 = arith.constant 126 : i32
    %swap3A_274 = arith.index_cast %swap3A_273 : i32 to index
    %swap3A_275 = arith.constant 16 : index
    %swap3A_276 = tpu.vector_load %arg7[%swap3A_274, %swap3A_275] {strides = array<i32>} : memref<128x64xf32, #tpu.memory_space<vmem>>, vector<1x16xf32>,
    %swap3A_277 = vector.shape_cast %swap3A_276 : vector<1x16xf32> to vector<16xf32>
    %swap3A_278 = vector.shape_cast %mul3A_272 : vector<16xf32> to vector<1x16xf32>
    tpu.vector_store %arg7[%swap3A_274, %swap3A_275], %swap3A_278 {strides = array<i32>} : memref<128x64xf32, #tpu.memory_space<vmem>>, vector<1x16xf32>,
    %mul3A_279 = arith.constant 5.000000e-03 : f32
    %mul3A_280 = vector.broadcast %mul3A_279 : f32 to vector<16xf32>
    %mul3A_281 = arith.mulf %scan3A_259#2, %mul3A_280 : vector<16xf32>
    %swap3A_282 = arith.constant 126 : i32
    %swap3A_283 = arith.index_cast %swap3A_282 : i32 to index
    %swap3A_284 = arith.constant 32 : index
    %swap3A_285 = tpu.vector_load %arg7[%swap3A_283, %swap3A_284] {strides = array<i32>} : memref<128x64xf32, #tpu.memory_space<vmem>>, vector<1x16xf32>,
    %swap3A_286 = vector.shape_cast %swap3A_285 : vector<1x16xf32> to vector<16xf32>
    %swap3A_287 = vector.shape_cast %mul3A_281 : vector<16xf32> to vector<1x16xf32>
    tpu.vector_store %arg7[%swap3A_283, %swap3A_284], %swap3A_287 {strides = array<i32>} : memref<128x64xf32, #tpu.memory_space<vmem>>, vector<1x16xf32>,
    %mul3A_288 = arith.constant 5.000000e-03 : f32
    %mul3A_289 = vector.broadcast %mul3A_288 : f32 to vector<16xf32>
    %mul3A_290 = arith.mulf %scan3A_259#3, %mul3A_289 : vector<16xf32>
    %swap3A_291 = arith.constant 126 : i32
    %swap3A_292 = arith.index_cast %swap3A_291 : i32 to index
    %swap3A_293 = arith.constant 48 : index
    %swap3A_294 = tpu.vector_load %arg7[%swap3A_292, %swap3A_293] {strides = array<i32>} : memref<128x64xf32, #tpu.memory_space<vmem>>, vector<1x16xf32>,
    %swap3A_295 = vector.shape_cast %swap3A_294 : vector<1x16xf32> to vector<16xf32>
    %swap3A_296 = vector.shape_cast %mul3A_290 : vector<16xf32> to vector<1x16xf32>
    tpu.vector_store %arg7[%swap3A_292, %swap3A_293], %swap3A_296 {strides = array<i32>} : memref<128x64xf32, #tpu.memory_space<vmem>>, vector<1x16xf32>,
    %dma_wait3A_297 = arith.constant 3 : i32
    %dma_wait3A_298 = arith.constant 0 : i32
    %dma_wait3A_299 = arith.constant 0 : i32
    %dma_wait3A_300 = tpu.memref_slice %arg6[%dma_wait3A_297, %dma_wait3A_298, %dma_wait3A_299] : memref<4x200x64xf32, #tpu.memory_space<vmem>> -> memref<1x200x64xf32, #tpu.memory_space<vmem>>
    %dma_wait3A_301 = tpu.memref_squeeze %dma_wait3A_300 : memref<1x200x64xf32, #tpu.memory_space<vmem>> -> memref<200x64xf32, #tpu.memory_space<vmem>>
    %dma_wait3A_302 = arith.constant 0 : i32
    %dma_wait3A_303 = arith.constant 0 : i32
    %dma_wait3A_304 = tpu.memref_slice %arg3[%dma_wait3A_302, %dma_wait3A_303] : memref<1000000x64xf32, #tpu.memory_space<hbm>> -> memref<200x64xf32, #tpu.memory_space<hbm>>
    %dma_wait3A_305 = arith.constant 0 : i32
    %dma_wait3A_306 = arith.constant 0 : i32
    %dma_wait3A_307 = tpu.memref_slice %arg6[%dma_wait3A_297, %dma_wait3A_305, %dma_wait3A_306] : memref<4x200x64xf32, #tpu.memory_space<vmem>> -> memref<1x200x64xf32, #tpu.memory_space<vmem>>
    %dma_wait3A_308 = tpu.memref_squeeze %dma_wait3A_307 : memref<1x200x64xf32, #tpu.memory_space<vmem>> -> memref<200x64xf32, #tpu.memory_space<vmem>>
    %dma_wait3A_309 = arith.constant 0 : i32
    %dma_wait3A_310 = arith.constant 0 : i32
    %dma_wait3A_311 = tpu.memref_slice %arg3[%dma_wait3A_309, %dma_wait3A_310] : memref<1000000x64xf32, #tpu.memory_space<hbm>> -> memref<200x64xf32, #tpu.memory_space<hbm>>
    tpu.wait_dma2 semaphore(%arg11 : memref<!tpu.dma_semaphore, #tpu.memory_space<semaphore_mem>>) src(%dma_wait3A_311 : memref<200x64xf32, #tpu.memory_space<hbm>>) dst(%dma_wait3A_308 : memref<200x64xf32, #tpu.memory_space<vmem>>)
    %broadcast_in_dim3A_312 = arith.constant 0.000000e+00 : f32
    %broadcast_in_dim3A_313 = vector.broadcast %broadcast_in_dim3A_312 : f32 to vector<16xf32>
    %broadcast_in_dim3A_314 = arith.constant 0.000000e+00 : f32
    %broadcast_in_dim3A_315 = vector.broadcast %broadcast_in_dim3A_314 : f32 to vector<16xf32>
    %broadcast_in_dim3A_316 = arith.constant 0.000000e+00 : f32
    %broadcast_in_dim3A_317 = vector.broadcast %broadcast_in_dim3A_316 : f32 to vector<16xf32>
    %broadcast_in_dim3A_318 = arith.constant 0.000000e+00 : f32
    %broadcast_in_dim3A_319 = vector.broadcast %broadcast_in_dim3A_318 : f32 to vector<16xf32>
    %scan3A_320 = arith.constant 0 : i32
    %scan3A_321 = arith.constant 200 : i32
    %scan3A_322 = arith.addi %scan3A_320, %scan3A_321 : i32
    %scan3A_323 = arith.constant 2 : i32
    %scan3A_324:4 = scf.for %scan3A_362 = %scan3A_320 to %scan3A_322 step %scan3A_323 iter_args(%scan3A_363 = %broadcast_in_dim3A_313, %scan3A_364 = %broadcast_in_dim3A_315, %scan3A_365 = %broadcast_in_dim3A_317, %scan3A_366 = %broadcast_in_dim3A_319) -> (vector<16xf32>, vector<16xf32>, vector<16xf32>, vector<16xf32>)  : i32 {
      %get3A = arith.constant 3 : i32
      %get3A_367 = arith.index_cast %get3A : i32 to index
      %get3A_368 = arith.index_cast %scan3A_362 : i32 to index
      %get3A_369 = arith.constant 0 : index
      %get3A_370 = tpu.vector_load %arg6[%get3A_367, %get3A_368, %get3A_369] {strides = array<i32>} : memref<4x200x64xf32, #tpu.memory_space<vmem>>, vector<1x1x16xf32>,
      %get3A_371 = vector.shape_cast %get3A_370 : vector<1x1x16xf32> to vector<16xf32>
      %add3A_372 = arith.addf %scan3A_363, %get3A_371 : vector<16xf32>
      %get3A_373 = arith.constant 3 : i32
      %get3A_374 = arith.index_cast %get3A_373 : i32 to index
      %get3A_375 = arith.index_cast %scan3A_362 : i32 to index
      %get3A_376 = arith.constant 16 : index
      %get3A_377 = tpu.vector_load %arg6[%get3A_374, %get3A_375, %get3A_376] {strides = array<i32>} : memref<4x200x64xf32, #tpu.memory_space<vmem>>, vector<1x1x16xf32>,
      %get3A_378 = vector.shape_cast %get3A_377 : vector<1x1x16xf32> to vector<16xf32>
      %add3A_379 = arith.addf %scan3A_364, %get3A_378 : vector<16xf32>
      %get3A_380 = arith.constant 3 : i32
      %get3A_381 = arith.index_cast %get3A_380 : i32 to index
      %get3A_382 = arith.index_cast %scan3A_362 : i32 to index
      %get3A_383 = arith.constant 32 : index
      %get3A_384 = tpu.vector_load %arg6[%get3A_381, %get3A_382, %get3A_383] {strides = array<i32>} : memref<4x200x64xf32, #tpu.memory_space<vmem>>, vector<1x1x16xf32>,
      %get3A_385 = vector.shape_cast %get3A_384 : vector<1x1x16xf32> to vector<16xf32>
      %add3A_386 = arith.addf %scan3A_365, %get3A_385 : vector<16xf32>
      %get3A_387 = arith.constant 3 : i32
      %get3A_388 = arith.index_cast %get3A_387 : i32 to index
      %get3A_389 = arith.index_cast %scan3A_362 : i32 to index
      %get3A_390 = arith.constant 48 : index
      %get3A_391 = tpu.vector_load %arg6[%get3A_388, %get3A_389, %get3A_390] {strides = array<i32>} : memref<4x200x64xf32, #tpu.memory_space<vmem>>, vector<1x1x16xf32>,
      %get3A_392 = vector.shape_cast %get3A_391 : vector<1x1x16xf32> to vector<16xf32>
      %add3A_393 = arith.addf %scan3A_366, %get3A_392 : vector<16xf32>
      %scan3A_394 = arith.constant 1 : i32
      %scan3A_395 = arith.addi %scan3A_362, %scan3A_394 : i32
      %get3A_396 = arith.constant 3 : i32
      %get3A_397 = arith.index_cast %get3A_396 : i32 to index
      %get3A_398 = arith.index_cast %scan3A_395 : i32 to index
      %get3A_399 = arith.constant 0 : index
      %get3A_400 = tpu.vector_load %arg6[%get3A_397, %get3A_398, %get3A_399] {strides = array<i32>} : memref<4x200x64xf32, #tpu.memory_space<vmem>>, vector<1x1x16xf32>,
      %get3A_401 = vector.shape_cast %get3A_400 : vector<1x1x16xf32> to vector<16xf32>
      %add3A_402 = arith.addf %add3A_372, %get3A_401 : vector<16xf32>
      %get3A_403 = arith.constant 3 : i32
      %get3A_404 = arith.index_cast %get3A_403 : i32 to index
      %get3A_405 = arith.index_cast %scan3A_395 : i32 to index
      %get3A_406 = arith.constant 16 : index
      %get3A_407 = tpu.vector_load %arg6[%get3A_404, %get3A_405, %get3A_406] {strides = array<i32>} : memref<4x200x64xf32, #tpu.memory_space<vmem>>, vector<1x1x16xf32>,
      %get3A_408 = vector.shape_cast %get3A_407 : vector<1x1x16xf32> to vector<16xf32>
      %add3A_409 = arith.addf %add3A_379, %get3A_408 : vector<16xf32>
      %get3A_410 = arith.constant 3 : i32
      %get3A_411 = arith.index_cast %get3A_410 : i32 to index
      %get3A_412 = arith.index_cast %scan3A_395 : i32 to index
      %get3A_413 = arith.constant 32 : index
      %get3A_414 = tpu.vector_load %arg6[%get3A_411, %get3A_412, %get3A_413] {strides = array<i32>} : memref<4x200x64xf32, #tpu.memory_space<vmem>>, vector<1x1x16xf32>,
      %get3A_415 = vector.shape_cast %get3A_414 : vector<1x1x16xf32> to vector<16xf32>
      %add3A_416 = arith.addf %add3A_386, %get3A_415 : vector<16xf32>
      %get3A_417 = arith.constant 3 : i32
      %get3A_418 = arith.index_cast %get3A_417 : i32 to index
      %get3A_419 = arith.index_cast %scan3A_395 : i32 to index
      %get3A_420 = arith.constant 48 : index
      %get3A_421 = tpu.vector_load %arg6[%get3A_418, %get3A_419, %get3A_420] {strides = array<i32>} : memref<4x200x64xf32, #tpu.memory_space<vmem>>, vector<1x1x16xf32>,
      %get3A_422 = vector.shape_cast %get3A_421 : vector<1x1x16xf32> to vector<16xf32>
      %add3A_423 = arith.addf %add3A_393, %get3A_422 : vector<16xf32>
      scf.yield %add3A_402, %add3A_409, %add3A_416, %add3A_423 : vector<16xf32>, vector<16xf32>, vector<16xf32>, vector<16xf32>
    }
    %scan3A_325 = arith.constant 200 : i32
    %mul3A_326 = arith.constant 5.000000e-03 : f32
    %mul3A_327 = vector.broadcast %mul3A_326 : f32 to vector<16xf32>
    %mul3A_328 = arith.mulf %scan3A_324#0, %mul3A_327 : vector<16xf32>
    %swap3A_329 = arith.constant 127 : i32
    %swap3A_330 = arith.index_cast %swap3A_329 : i32 to index
    %swap3A_331 = arith.constant 0 : index
    %swap3A_332 = tpu.vector_load %arg7[%swap3A_330, %swap3A_331] {strides = array<i32>} : memref<128x64xf32, #tpu.memory_space<vmem>>, vector<1x16xf32>,
    %swap3A_333 = vector.shape_cast %swap3A_332 : vector<1x16xf32> to vector<16xf32>
    %swap3A_334 = vector.shape_cast %mul3A_328 : vector<16xf32> to vector<1x16xf32>
    tpu.vector_store %arg7[%swap3A_330, %swap3A_331], %swap3A_334 {strides = array<i32>} : memref<128x64xf32, #tpu.memory_space<vmem>>, vector<1x16xf32>,
    %mul3A_335 = arith.constant 5.000000e-03 : f32
    %mul3A_336 = vector.broadcast %mul3A_335 : f32 to vector<16xf32>
    %mul3A_337 = arith.mulf %scan3A_324#1, %mul3A_336 : vector<16xf32>
    %swap3A_338 = arith.constant 127 : i32
    %swap3A_339 = arith.index_cast %swap3A_338 : i32 to index
    %swap3A_340 = arith.constant 16 : index
    %swap3A_341 = tpu.vector_load %arg7[%swap3A_339, %swap3A_340] {strides = array<i32>} : memref<128x64xf32, #tpu.memory_space<vmem>>, vector<1x16xf32>,
    %swap3A_342 = vector.shape_cast %swap3A_341 : vector<1x16xf32> to vector<16xf32>
    %swap3A_343 = vector.shape_cast %mul3A_337 : vector<16xf32> to vector<1x16xf32>
    tpu.vector_store %arg7[%swap3A_339, %swap3A_340], %swap3A_343 {strides = array<i32>} : memref<128x64xf32, #tpu.memory_space<vmem>>, vector<1x16xf32>,
    %mul3A_344 = arith.constant 5.000000e-03 : f32
    %mul3A_345 = vector.broadcast %mul3A_344 : f32 to vector<16xf32>
    %mul3A_346 = arith.mulf %scan3A_324#2, %mul3A_345 : vector<16xf32>
    %swap3A_347 = arith.constant 127 : i32
    %swap3A_348 = arith.index_cast %swap3A_347 : i32 to index
    %swap3A_349 = arith.constant 32 : index
    %swap3A_350 = tpu.vector_load %arg7[%swap3A_348, %swap3A_349] {strides = array<i32>} : memref<128x64xf32, #tpu.memory_space<vmem>>, vector<1x16xf32>,
    %swap3A_351 = vector.shape_cast %swap3A_350 : vector<1x16xf32> to vector<16xf32>
    %swap3A_352 = vector.shape_cast %mul3A_346 : vector<16xf32> to vector<1x16xf32>
    tpu.vector_store %arg7[%swap3A_348, %swap3A_349], %swap3A_352 {strides = array<i32>} : memref<128x64xf32, #tpu.memory_space<vmem>>, vector<1x16xf32>,
    %mul3A_353 = arith.constant 5.000000e-03 : f32
    %mul3A_354 = vector.broadcast %mul3A_353 : f32 to vector<16xf32>
    %mul3A_355 = arith.mulf %scan3A_324#3, %mul3A_354 : vector<16xf32>
    %swap3A_356 = arith.constant 127 : i32
    %swap3A_357 = arith.index_cast %swap3A_356 : i32 to index
    %swap3A_358 = arith.constant 48 : index
    %swap3A_359 = tpu.vector_load %arg7[%swap3A_357, %swap3A_358] {strides = array<i32>} : memref<128x64xf32, #tpu.memory_space<vmem>>, vector<1x16xf32>,
    %swap3A_360 = vector.shape_cast %swap3A_359 : vector<1x16xf32> to vector<16xf32>
    %swap3A_361 = vector.shape_cast %mul3A_355 : vector<16xf32> to vector<1x16xf32>
    tpu.vector_store %arg7[%swap3A_357, %swap3A_358], %swap3A_361 {strides = array<i32>} : memref<128x64xf32, #tpu.memory_space<vmem>>, vector<1x16xf32>,
    "tpu.region"() ({
      %run_scoped3A = tpu.sem_alloc : memref<!tpu.dma_semaphore, #tpu.memory_space<semaphore_mem>>
      %dma_start3A_362 = arith.constant 0 : i32
      %dma_start3A_363 = tpu.memref_slice %arg4[%mul3A_2, %dma_start3A_362] : memref<4096x64xf32, #tpu.memory_space<hbm>> -> memref<128x64xf32, #tpu.memory_space<hbm>>
      %dma_start3A_364 = arith.constant 0 : i32
      %dma_start3A_365 = tpu.memref_slice %arg4[%mul3A_2, %dma_start3A_364] : memref<4096x64xf32, #tpu.memory_space<hbm>> -> memref<128x64xf32, #tpu.memory_space<hbm>>
      tpu.enqueue_dma source(%arg7 : memref<128x64xf32, #tpu.memory_space<vmem>>) target(%dma_start3A_365 : memref<128x64xf32, #tpu.memory_space<hbm>>) target_semaphore(%run_scoped3A : memref<!tpu.dma_semaphore, #tpu.memory_space<semaphore_mem>>)
      %dma_wait3A_366 = arith.constant 0 : i32
      %dma_wait3A_367 = tpu.memref_slice %arg4[%mul3A_2, %dma_wait3A_366] : memref<4096x64xf32, #tpu.memory_space<hbm>> -> memref<128x64xf32, #tpu.memory_space<hbm>>
      %dma_wait3A_368 = arith.constant 0 : i32
      %dma_wait3A_369 = tpu.memref_slice %arg4[%mul3A_2, %dma_wait3A_368] : memref<4096x64xf32, #tpu.memory_space<hbm>> -> memref<128x64xf32, #tpu.memory_space<hbm>>
      tpu.wait_dma2 semaphore(%run_scoped3A : memref<!tpu.dma_semaphore, #tpu.memory_space<semaphore_mem>>) src(%arg7 : memref<128x64xf32, #tpu.memory_space<vmem>>) dst(%dma_wait3A_369 : memref<128x64xf32, #tpu.memory_space<hbm>>)
      tpu.yield
    }) : () -> ()
    return
  }
}

module attributes {stable_mosaic.version = 14 : i64} {
  func.func @body(%arg0: memref<4096x64xf32, #tpu.memory_space<vmem>>, %arg1: memref<2x64xf32, #tpu.memory_space<vmem>>, %arg2: memref<1x2xf32, #tpu.memory_space<vmem>>, %arg3: memref<4096x2xf32, #tpu.memory_space<vmem>>) attributes {dimension_semantics = [], scalar_prefetch = 0 : i64, scratch_operands = 0 : i64, tpu.core_type = #tpu.core_type<tc>} {
    %get3A = arith.constant 0 : index
    %get3A_0 = arith.constant 0 : index
    %get3A_1 = vector.load %arg0[%get3A, %get3A_0] : memref<4096x64xf32, #tpu.memory_space<vmem>>, vector<4096x64xf32>
    %get3A_2 = arith.constant 0 : index
    %get3A_3 = arith.constant 0 : index
    %get3A_4 = vector.load %arg1[%get3A_2, %get3A_3] : memref<2x64xf32, #tpu.memory_space<vmem>>, vector<2x64xf32>
    %dot_general3A = arith.constant dense<0.000000e+00> : vector<4096x2xf32>
    %dot_general3A_5 = tpu.matmul %get3A_1, %get3A_4, %dot_general3A {dimension_numbers = #tpu.dot_dimension_numbers<[1], [1], [0], [0], [0, 0, 1, 0], [], []>, transpose_lhs_hint = false} : vector<4096x64xf32>, vector<2x64xf32>, vector<4096x2xf32> -> vector<4096x2xf32>
    %get3A_6 = arith.constant 0 : index
    %get3A_7 = arith.constant 0 : index
    %get3A_8 = vector.load %arg2[%get3A_6, %get3A_7] : memref<1x2xf32, #tpu.memory_space<vmem>>, vector<1x2xf32>
    %add3A = vector.broadcast %get3A_8 : vector<1x2xf32> to vector<4096x2xf32>
    %add3A_9 = arith.addf %dot_general3A_5, %add3A : vector<4096x2xf32>
    %reduce_max3A = arith.constant dense<0xFF800000> : vector<4096xf32>
    %reduce_max3A_10 = vector.multi_reduction <maximumf>, %add3A_9, %reduce_max3A [1] : vector<4096x2xf32> to vector<4096xf32>
    %broadcast_in_dim3A = vector.shape_cast %reduce_max3A_10 : vector<4096xf32> to vector<4096x1xf32>
    %sub3A = vector.broadcast %broadcast_in_dim3A : vector<4096x1xf32> to vector<4096x2xf32>
    %sub3A_11 = arith.subf %add3A_9, %sub3A : vector<4096x2xf32>
    %exp3A = math.exp %sub3A_11 : vector<4096x2xf32>
    %reduce_sum3A = arith.constant dense<0.000000e+00> : vector<4096xf32>
    %reduce_sum3A_12 = vector.multi_reduction <add>, %exp3A, %reduce_sum3A [1] : vector<4096x2xf32> to vector<4096xf32>
    %broadcast_in_dim3A_13 = vector.shape_cast %reduce_sum3A_12 : vector<4096xf32> to vector<4096x1xf32>
    %log3A = math.log %broadcast_in_dim3A_13 : vector<4096x1xf32>
    %add3A_14 = arith.addf %broadcast_in_dim3A, %log3A : vector<4096x1xf32>
    %sub3A_15 = vector.broadcast %add3A_14 : vector<4096x1xf32> to vector<4096x2xf32>
    %sub3A_16 = arith.subf %add3A_9, %sub3A_15 : vector<4096x2xf32>
    %swap3A = arith.constant 0 : index
    %swap3A_17 = arith.constant 0 : index
    %swap3A_18 = vector.load %arg3[%swap3A, %swap3A_17] : memref<4096x2xf32, #tpu.memory_space<vmem>>, vector<4096x2xf32>
    tpu.vector_store %arg3[%swap3A, %swap3A_17], %sub3A_16 {strides = array<i32>} : memref<4096x2xf32, #tpu.memory_space<vmem>>, vector<4096x2xf32>,
    return
  }
}

</mosaic_0001>

<sc_bundles>
// kernel: kernel.4.cloned.1.call-start
scs
__scs_entry_jumppad:
0x0: {  	(pc) =	sbr.rel $0x88, $3  }
0x1: {  	(tag) =	ssettag $0x0;
	lr =	simm.s32 $0x1  }
0x2: {  	[smem:$0x3F9D] =	sst lr;
	_ =	strace $0xD0000000  }
0x3: {  	_ = 	snop  }
0x4: {  	_ = 	snop  }
0x5: {  	_ = 	snop  }
0x6: {  	_ = 	snop  }
0x7: {  	_ = 	snop  }
__scs_overlays_trampoline_lowered:
0x8: {  	[smem:$0x3FAC] =	sst s0  }
0x9: {  	[smem:$0x3FAD] =	sst s1  }
0xa: {  	[smem:$0x3FAE] =	sst s2  }
0xb: {  	[smem:$0x3FAF] =	sst s3  }
0xc: {  	[smem:$0x3FB0] =	sst s4  }
0xd: {  	[smem:$0x3FB1] =	sst s5  }
0xe: {  	[smem:$0x3FB2] =	sst s6  }
0xf: {  	[smem:$0x3FB3] =	sst s7  }
0x10: {  	[smem:$0x3FB4] =	sst s8  }
0x11: {  	[smem:$0x3FB5] =	sst s9;
	s0 =	simm.s32 @!p0 $0x0  }
0x12: {  	s1 =	sld [smem:$0x3F9B];
	s0 =	simm.s32 @p0 $0x1  }
0x13: {  	[smem:$0x3FB6] =	sst s0;
	s0 =	simm.s32 @!p1 $0x0  }
0x14: {  	s2 =	sld [smem:$0x3F9A];
	s0 =	simm.s32 @p1 $0x1  }
0x15: {  	[smem:$0x3FB7] =	sst s0;
	s0 =	simm.s32 @!p2 $0x0  }
0x16: {  	s3 =	sld [smem:$0x3FDB];
	s0 =	simm.s32 @p2 $0x1  }
0x17: {  	s4 =	simm.s32 $0x1BF5;
	[smem:$0x3FB9] =	sst s0  }
0x18: {  	s0 =	sld [smem:$0x3F9C];
	_ =	swait.ge [sflag:s4], $0x0  }
0x19: {  	s7 =	sld [smem:$0x3F9D]  }
0x1a: {  	s8 =	sadd.s32 $0xFFFFE003, lr  }
0x1b: {  	s9 =	sadd.s32 $0xFFFFFEF7, lr;
	s5 =	simm.s32 $0xFFFFFFFF;
	p2 =	slt.u32 s8, $0xFFFFF086  }
0x1c: {  	p1 =	slt.u32 s9, $0xF7A;
	s5 =	simm.s32 @!p2 $0x0  }
0x1d: {  	s5 =	simm.s32 @p1 $0x1;
	p0 =	seq.s32 s7, s2  }
0x1e: {  	s7 =	smul.u32 @!p0 $0xF7A, s2;
	p2 =	seq.s32 @!p0 s5, $0x0  }
0x1f: {  	s9 =	smul.u32 $0xF7A, s1;
	s8 =	simm.s32 @!p0 $0x1BF5;
	p2 =	por !p2, p0  }
0x20: {  	[sflag:s8] =	ssyncset.s32 @!p0 $0xFFFFF086;
	s6 =	sadd.s32 @!p0 s3, s7;
	s7 =	simm.s32 @!p0 $0x108  }
0x21: {  	s3 =	sadd.s32 s3, s9;
	s6 =	sadd.s32 @!p0 $0x88, s6;
	s7 =	simm.s32 @p2 $0x1082  }
0x22: {  	[simem:s7], [sflag:s8] =	dma.local @!p0 [hbm:s6], $0xF7A  }
0x23: {  	s9 =	sor.u32 $0xD0000000, s2;
	s6 =	simm.s32 $0x108;
	_ =	swait.ge @!p0 [sflag:s8], $0x0  }
0x24: {  	s3 =	sadd.s32 $0x88, s3;
	s6 =	simm.s32 @!p1 $0x1082;
	[sflag:s4] =	ssyncset.s32 $0xFFFFF086  }
0x25: {  	[simem:s6], [sflag:s4] =	dma.local [hbm:s3], $0xF7A  }
0x26: {  	[smem:$0x3F9D] =	sst s1;
	(tag) =	ssettag s2;
	_ =	strace s9  }
0x27: {  	s1 =	sld [smem:$0x3FAD]  }
0x28: {  	s2 =	sld [smem:$0x3FAE]  }
0x29: {  	s4 =	sld [smem:$0x3FB0]  }
0x2a: {  	p0 =	seq.s32 s5, $0x0;
	s5 =	sld [smem:$0x3FB1]  }
0x2b: {  	s6 =	sld [smem:$0x3FB2]  }
0x2c: {  	s7 =	sld [smem:$0x3FB3]  }
0x2d: {  	s3 =	simm.s32 $0x108;
	s8 =	sld [smem:$0x3FB4]  }
0x2e: {  	s3 =	simm.s32 @!p0 $0x1082;
	s9 =	sld [smem:$0x3FB5]  }
0x2f: {  	lr =	sadd.s32 s0, s3;
	s0 =	sld [smem:$0x3FAC]  }
0x30: {  	s3 =	sld [smem:$0x3FAF]  }
0x31: {  	[smem:$0x3FB8] =	sst s10  }
0x32: {  	s10 =	sld [smem:$0x3FB6];
	_ =	sdelay $0x3  }
0x33: {  	p0 =	seq.s32 s10, $0x1;
	s10 =	sld [smem:$0x3FB8];
	_ =	sdelay $0x3  }
0x34: {  	[smem:$0x3FB8] =	sst s10  }
0x35: {  	s10 =	sld [smem:$0x3FB7];
	_ =	sdelay $0x3  }
0x36: {  	p1 =	seq.s32 s10, $0x1;
	s10 =	sld [smem:$0x3FB8];
	_ =	sdelay $0x3  }
0x37: {  	[smem:$0x3FB8] =	sst s10  }
0x38: {  	s10 =	sld [smem:$0x3FB9]  }
0x39: {  	_ = 	snop;
	(pc) =	sbr.ind lr, $3  }
0x3a: {  	_ = 	snop  }
0x3b: {  	_ = 	snop  }
0x3c: {  	p2 =	seq.s32 s10, $0x1;
	s10 =	sld [smem:$0x3FB8]  }
0x3d: {  	_ =	shalt  }
0x3e: {  	_ =	shalt  }
0x3f: {  	_ =	shalt  }
0x40: {  	_ =	shalt  }
0x41: {  	_ =	shalt  }
0x42: {  	_ =	shalt  }
0x43: {  	_ =	shalt  }
0x44: {  	_ =	shalt  }
0x45: {  	_ =	shalt  }
0x46: {  	_ =	shalt  }
0x47: {  	_ =	shalt  }
0x48: {  	_ =	shalt  }
0x49: {  	_ =	shalt  }
0x4a: {  	_ =	shalt  }
0x4b: {  	_ =	shalt  }
0x4c: {  	_ =	shalt  }
0x4d: {  	_ =	shalt  }
0x4e: {  	_ =	shalt  }
0x4f: {  	_ =	shalt  }
0x50: {  	_ =	shalt  }
0x51: {  	_ =	shalt  }
0x52: {  	_ =	shalt  }
0x53: {  	_ =	shalt  }
0x54: {  	_ =	shalt  }
0x55: {  	_ =	shalt  }
0x56: {  	_ =	shalt  }
0x57: {  	_ =	shalt  }
0x58: {  	_ =	shalt  }
0x59: {  	_ =	shalt  }
0x5a: {  	_ =	shalt  }
0x5b: {  	_ =	shalt  }
0x5c: {  	_ =	shalt  }
0x5d: {  	_ =	shalt  }
0x5e: {  	_ =	shalt  }
0x5f: {  	_ =	shalt  }
0x60: {  	_ =	shalt  }
0x61: {  	_ =	shalt  }
0x62: {  	_ =	shalt  }
0x63: {  	_ =	shalt  }
0x64: {  	_ =	shalt  }
0x65: {  	_ =	shalt  }
0x66: {  	_ =	shalt  }
0x67: {  	_ =	shalt  }
0x68: {  	_ =	shalt  }
0x69: {  	_ =	shalt  }
0x6a: {  	_ =	shalt  }
0x6b: {  	_ =	shalt  }
0x6c: {  	_ =	shalt  }
0x6d: {  	_ =	shalt  }
0x6e: {  	_ =	shalt  }
0x6f: {  	_ =	shalt  }
0x70: {  	_ =	shalt  }
0x71: {  	_ =	shalt  }
0x72: {  	_ =	shalt  }
0x73: {  	_ =	shalt  }
0x74: {  	_ =	shalt  }
0x75: {  	_ =	shalt  }
0x76: {  	_ =	shalt  }
0x77: {  	_ =	shalt  }
0x78: {  	_ =	shalt  }
0x79: {  	_ =	shalt  }
0x7a: {  	_ =	shalt  }
0x7b: {  	_ =	shalt  }
0x7c: {  	_ =	shalt  }
0x7d: {  	_ =	shalt  }
0x7e: {  	_ =	shalt  }
0x7f: {  	_ =	shalt  }
0x80: {  	_ =	shalt  }
0x81: {  	_ =	shalt  }
0x82: {  	_ =	shalt  }
0x83: {  	_ =	shalt  }
0x84: {  	_ =	shalt  }
0x85: {  	_ =	shalt  }
0x86: {  	_ =	shalt  }
0x87: {  	_ =	shalt  }
.Lfunc_end0:
.L_simem_size_0:
called_computation_lowered:
.L_overlay_start_0:
0x88: {  	s2 =	sld [smem:$0x3FD9]  }
0x89: {  	s3 =	sld [smem:$0x3FFE];
	_ =	sdelay $0x1  }
0x8a: {  	s1 =	srdreg.scid  }
0x8b: {  	s0 =	sand.u32 $0x1, s1  }
0x8c: {  	s16 =	sshll.u32 s0, $0xA;
	s2 =	sadd.s32 s3, s2  }
0x8d: {  	s2 =	sadd.s32 s2, s16  }
0x8e: {  	[smem:$0x3FC4] =	sst s2  }
0x8f: {  	_ = 	snop  }
0x90: {  	(tm) =	ssettm $0x1  }
0x91: {  	s17 =	sld [smem:$0x3FFB];
	_ =	sdelay $0x3  }
0x92: {  	_ =	strace s17  }
0x93: {  	s2 =	sld [smem:$0x3FFC];
	_ =	sdelay $0x3  }
0x94: {  	_ =	strace s2  }
0x95: {  	s2 =	sld [smem:$0x3FFD];
	_ =	sdelay $0x3  }
0x96: {  	_ =	strace s2  }
0x97: {  	_ =	strace $0x8FFFFFFF  }
0x98: {  	s18 =	sld [smem:$0x3FDB];
	_ =	sdelay $0x1  }
0x99: {  	s19 =	simm.s32 $_scs_section_size  }
0x9a: {  	s4 =	simm.s32 $_size__tile_overlayer_lowered;
	s5 =	simm.s32 $_tile_overlayer_lowered  }
0x9b: {  	s22 =	simm.s32 $0x1BFF;
	s21 =	sshll.u32 s5, $0x1;
	s2 =	sadd.s32 s19, s18  }
0x9c: {  	s6 =	simm.s32 $0x0;
	s20 =	sshll.u32 s4, $0x1;
	s4 =	sadd.s32 s21, s2  }
0x9d: {  	[timem:s6], [sflag:s22] =	dma.local [hbm:s4], s20  }
0x9e: {  	_ =	swait.ge [sflag:s22], s20  }
0x9f: {  	s3 =	ssub.s32 $0x0, s20;
	[sflag:s22] =	ssyncset.done $0x0  }
0xa0: {  	[sflag:s22] =	ssyncadd.s32 s3;
	_ =	sdelay $0x1  }
0xa1: {  	s23 =	simm.s32 $0x1B8B  }
0xa2: {  	_ =	swait.ge [sflag:s23], $0x1  }
0xa3: {  	[sflag:s23] =	ssyncset.done $0x0  }
0xa4: {  	s25 =	simm.s32 $0x1B8E;
	s24 =	sld [smem:$0x3FFE];
	[sflag:s23] =	ssyncadd.s32 $0xFFFFFFFF  }
0xa5: {  	s26 =	simm.s32 $execute0_lowered;
	[smem:$0x3FD2] =	sst s25  }
0xa6: {  	s4 =	sshll.u32 s26, $0x1;
	_ =	strace $0x80000046;
	[dreg:$0x1] =	wrdreg $0xFFFFFFFF  }
0xa7: {  	s28 =	simm.s32 $_size_execute0_lowered;
	s2 =	sadd.s32 s2, s4;
	[dreg:$0x0] =	wrdreg $0x0  }
0xa8: {  	s4 =	sshll.u32 s28, $0x1;
	[dreg:$0x2] =	wrdreg s2  }
0xa9: {  	[dreg:$0x3] =	wrdreg s4  }
0xaa: {  	[dreg:$0x4] =	wrdreg $0xC0  }
0xab: {  	_ =	task [dreg:s6], $0x5FFFF  }
0xac: {  	[dreg:$0x1] =	wrdreg $0xFFFFFFFF  }
0xad: {  	[dreg:$0x0] =	wrdreg $0x60  }
0xae: {  	[dreg:$0x2] =	wrdreg s24  }
0xaf: {  	[dreg:$0x3] =	wrdreg $0x9  }
0xb0: {  	_ =	task.clear_ibuf [dreg:s6], $0x4FFFF;
	_ =	strace $0x90000046  }
0xb1: {  	s29 =	simm.s32 $0x9;
	_ =	strace $0x80000048  }
0xb2: {  	_ =	swait.ge [sflag:s29], $0x1  }
0xb3: {  	[sflag:s29] =	ssyncadd.s32 $0xFFFFFFFF  }
0xb4: {  	_ =	strace $0x90000048  }
0xb5: {  	_ =	sfence  }
0xb6: {  	s30 =	sld [smem:$0x0];
	_ =	sdelay $0x2  }
0xb7: {  	s31 =	sshll.u32 s1, $0xD;
	s1 =	sshrl.u32 s1, $0x2  }
0xb8: {  	s3 =	sand.u32 $0x4000, s31;
	s1 =	sadd.s32 s1, s30  }
0xb9: {  	s0 =	sor.u32 s3, s0;
	s1 =	sshll.u32 s1, $0x11  }
0xba: {  	s0 =	sor.u32 s1, s0  }
0xbb: {  	s0 =	sadd.s32 $0x8F2B, s0  }
0xbc: {  	[sflag:s0] =	ssyncadd.remote.s32 $0x1  }
0xbd: {  	_ =	sfence.sel $0xFFFF  }
0xbe: {  	[dreg:$0x0] =	wrdreg $0xFFFFFFFF;
	(pc) =	sbr.abs _section_cstart, $3  }
0xbf: {  	[dreg:$0x1] =	wrdreg $0xFFFFFFFF  }
0xc0: {  	_ =	task.clear_ibuf [dreg:s6], $0x2FFFF;
	_ =	strace $0x9FFFFFFF  }
0xc1: {  	(tm) =	ssettm $0x7FFFFFFF  }
tec
execute0_lowered:
.L_overlay_start_1:
0x0: {  	(tag) =	ssettag $0x1  }
0x1: {  	s0 =	srdreg.scid  }
0x2: {  	s2 =	stileid.u32;
	s1 =	rddreg [dreg:$0x0]  }
0x3: {  	s7 =	simm.s32 $0x5;
	s8 =	simm.s32 $0x80;
	s9 =	simm.s32 $0x6400  }
0x4: {  	s10 =	simm.s32 $0x48;
	s11 =	simm.s32 $0x8400;
	s13 =	simm.s32 $0x9600  }
0x5: {  	s15 =	simm.s32 $0xB600;
	s16 =	simm.s32 $0x190;
	s17 =	simm.s32 $0xC800  }
0x6: {  	s18 =	simm.s32 $0x210;
	s19 =	simm.s32 $0xE800;
	s20 =	simm.s32 $0x258  }
0x7: {  	s21 =	simm.s32 $0xFA00;
	s22 =	simm.s32 $0x2D8;
	s23 =	simm.s32 $0x11A00  }
0x8: {  	s24 =	simm.s32 $0x1;
	s25 =	simm.s32 $0x2;
	s26 =	simm.s32 $0x3  }
0x9: {  	s28 =	simm.s32 $0x4;
	s29 =	simm.s32 $0x12C00;
	s0 =	sand.u32 $0x1, s0  }
0xa: {  	s3 =	sshll.u32 s2, $0x8;
	s2 =	simm.s32 $0x0;
	s4 =	sshll.u32 s0, $0x7  }
0xb: {  	s30 =	simm.s32 $0x0;
	[smem:$0x7FF] =	sst s2;
	s3 =	sor.u32 s4, s3  }
0xc: {  	s0 =	ssub.s32 $0x2, s0;
	_ =	strace $0x80000047;
	s4 =	smul.u32 $0x19, s3  }
0xd: {  	s31 =	sshrl.u32 s0, $0x1;
	s5 =	sshll.u32 s3, $0x3;
	s3 =	sadd.s32 $0xF42E00, s1  }
0xe: {  	s0 =	ssub.s32 s0, s31;
	s4 =	sadd.s32 s4, s1;
	s1 =	sadd.s32 s5, s1  }
0xf: {  	s6 =	smax.u32 s0, $0x1;
	s4 =	sadd.s32 $0xA00, s4;
	s5 =	sadd.s32 $0x19A00, s1  }
.LBB2_1:
0x10: {  	[tilespmem:s2], [sflag:$0x5] =	stream.linear.gather [hbm4b:s4+s2], $0x6400, $0x38;
	[tilespmem:$0x14C00] =	vst v63  }
0x11: {  	_ =	swait.ge [sflag:s7], $0x6400  }
0x12: {  	[sflag:s7] =	ssyncset.done $0x0  }
0x13: {  	[sflag:s7] =	ssyncadd.s32 $0xFFFF9C00  }
0x14: {  	[tilespmem:s9], [sflag:$0x1] =	stream.indirect.gather [hbm4b:s3+s8], $0x40, s2, s8, $0xb8;
	[tilespmem:$0x14C00] =	vst v63  }
0x15: {  	_ = 	snop  }
0x16: {  	[tilespmem:s11], [sflag:$0x1] =	stream.indirect.gather [hbm4b:s3+s10], $0x40, s8, s10, $0xb8;
	[tilespmem:$0x14C00] =	vst v63  }
0x17: {  	s0 =	simm.s32 $0xC8  }
0x18: {  	[tilespmem:s13], [sflag:$0x2] =	stream.indirect.gather [hbm4b:s3+s8], $0x40, s0, s8, $0xb8;
	[tilespmem:$0x14C00] =	vst v63  }
0x19: {  	s14 =	simm.s32 $0x148  }
0x1a: {  	[tilespmem:s15], [sflag:$0x2] =	stream.indirect.gather [hbm4b:s3+s10], $0x40, s14, s10, $0xb8;
	[tilespmem:$0x14C00] =	vst v63  }
0x1b: {  	_ = 	snop  }
0x1c: {  	[tilespmem:s17], [sflag:$0x3] =	stream.indirect.gather [hbm4b:s3+s8], $0x40, s16, s8, $0xb8;
	[tilespmem:$0x14C00] =	vst v63  }
0x1d: {  	_ = 	snop  }
0x1e: {  	[tilespmem:s19], [sflag:$0x3] =	stream.indirect.gather [hbm4b:s3+s10], $0x40, s18, s10, $0xb8;
	[tilespmem:$0x14C00] =	vst v63  }
0x1f: {  	_ = 	snop  }
0x20: {  	[tilespmem:s21], [sflag:$0x4] =	stream.indirect.gather [hbm4b:s3+s8], $0x40, s20, s8, $0xb8;
	[tilespmem:$0x14C00] =	vst v63  }
0x21: {  	s31 =	simm.s32 $0x0  }
0x22: {  	[tilespmem:s23], [sflag:$0x4] =	stream.indirect.gather [hbm4b:s3+s10], $0x40, s22, s10, $0xb8;
	[tilespmem:$0x14C00] =	vst v63  }
.LBB2_2:
0x23: {  	_ =	swait.ge [sflag:s24], $0x3200  }
0x24: {  	[sflag:s24] =	ssyncset.done $0x0  }
0x25: {  	s1 =	simm.s32 $0x6440;
	[sflag:s24] =	ssyncadd.s32 $0xFFFFCE00  }
0x26: {  	v1 =	vld [tilespmem:s1+$0x0]  }
0x27: {  	v2 =	vld [tilespmem:s1+$0x10]  }
0x28: {  	v0 =	vld [tilespmem:s1+$0xFFFFFFC0]  }
0x29: {  	v3 =	vld [tilespmem:s1+$0xFFFFFFD0]  }
0x2a: {  	v5 =	vld [tilespmem:s1+$0xFFFFFFE0]  }
0x2b: {  	v7 =	vld [tilespmem:s1+$0xFFFFFFF0]  }
0x2c: {  	v8 =	vimm.f32 $0.0e+00;
	v4 =	vld [tilespmem:s1+$0x20]  }
0x2d: {  	s0 =	simm.s32 $0x0;
	v10 =	vimm.f32 $0.0e+00;
	v11 =	vimm.f32 $0.0e+00;
	v9 =	vimm.f32 $0.0e+00;
	v6 =	vld [tilespmem:s1+$0x30];
	s1 =	simm.s32 $0x64C0  }
.LBB2_3:
0x2e: {  	v12 =	vld [tilespmem:s1+$0x0]  }
0x2f: {  	v8 =	vadd.f32 v0, v8;
	v10 =	vadd.f32 v3, v10;
	s0 =	sadd.s32 $0x2, s0;
	v13 =	vld [tilespmem:s1+$0x10]  }
0x30: {  	v11 =	vadd.f32 v5, v11;
	p0 =	slt.u32 s0, $0xC6;
	v0 =	vld [tilespmem:s1+$0xFFFFFFC0];
	v7 =	vadd.f32 v7, v9  }
.Ltmp0:
0x31: {  	v8 =	vadd.f32 v1, v8;
	v10 =	vadd.f32 v2, v10;
	v3 =	vld [tilespmem:s1+$0xFFFFFFD0];
	(pc) =	sbr.rel @p0 .LBB2_3-.Ltmp0, $4  }
0x32: {  	v11 =	vadd.f32 v4, v11;
	v5 =	vld [tilespmem:s1+$0xFFFFFFE0];
	v9 =	vadd.f32 v6, v7  }
0x33: {  	v7 =	vld [tilespmem:s1+$0xFFFFFFF0];
	v1 =	vmov v12  }
0x34: {  	v4 =	vld [tilespmem:s1+$0x20];
	v2 =	vmov v13  }
0x35: {  	v6 =	vld [tilespmem:s1+$0x30];
	s1 =	sadd.s32 $0x80, s1  }
0x36: {  	v0 =	vadd.f32 v0, v8  }
0x37: {  	v3 =	vadd.f32 v3, v10  }
0x38: {  	v5 =	vadd.f32 v5, v11;
	v0 =	vadd.f32 v1, v0  }
0x39: {  	v1 =	vadd.f32 v7, v9;
	v2 =	vadd.f32 v2, v3  }
0x3a: {  	s0 =	sshll.u32 s31, $0x8;
	v3 =	vadd.f32 v4, v5;
	v0 =	vmul.f32 $4.999999890e-03, v0  }
0x3b: {  	s1 =	sand.u32 $0x3FFFFF00, s0;
	v1 =	vadd.f32 v6, v1;
	v2 =	vmul.f32 $4.999999890e-03, v2  }
0x3c: {  	s12 =	smul.u32 $0xC80, s31;
	[tilespmem:s1+$0x12C00] =	vst v0;
	v0 =	vmul.f32 $4.999999890e-03, v3  }
0x3d: {  	[tilespmem:s1+$0x12C10] =	vst v2;
	v1 =	vmul.f32 $4.999999890e-03, v1  }
0x3e: {  	s0 =	sshra.s32 s12, $0x2;
	[tilespmem:s1+$0x12C20] =	vst v0  }
0x3f: {  	s12 =	sadd.s32 $0x320, s0;
	[tilespmem:s1+$0x12C30] =	vst v1  }
0x40: {  	[tilespmem:s9], [sflag:$0x1] =	stream.indirect.gather [hbm4b:s3+s8], $0x40, s12, s8, $0xb8;
	[tilespmem:$0x14C00] =	vst v63  }
0x41: {  	s14 =	sadd.s32 $0x3A0, s0  }
0x42: {  	[tilespmem:s11], [sflag:$0x1] =	stream.indirect.gather [hbm4b:s3+s10], $0x40, s14, s10, $0xb8;
	[tilespmem:$0x14C00] =	vst v63  }
0x43: {  	_ =	swait.ge [sflag:s25], $0x3200  }
0x44: {  	[sflag:s25] =	ssyncset.done $0x0  }
0x45: {  	s14 =	simm.s32 $0x9670;
	[sflag:s25] =	ssyncadd.s32 $0xFFFFCE00  }
0x46: {  	v1 =	vld [tilespmem:s14+$0xFFFFFFD0]  }
0x47: {  	v2 =	vld [tilespmem:s14+$0xFFFFFFE0]  }
0x48: {  	v0 =	vld [tilespmem:s14+$0xFFFFFF90]  }
0x49: {  	v3 =	vld [tilespmem:s14+$0xFFFFFFA0]  }
0x4a: {  	v5 =	vld [tilespmem:s14+$0xFFFFFFB0]  }
0x4b: {  	v6 =	vld [tilespmem:s14+$0xFFFFFFC0]  }
0x4c: {  	v8 =	vimm.f32 $0.0e+00;
	v4 =	vld [tilespmem:s14+$0xFFFFFFF0]  }
0x4d: {  	v10 =	vimm.f32 $0.0e+00;
	v11 =	vimm.f32 $0.0e+00;
	v9 =	vimm.f32 $0.0e+00;
	s12 =	simm.s32 $0x0;
	v7 =	vld [tilespmem:s14+$0x0];
	s14 =	simm.s32 $0x96F0  }
.LBB2_5:
0x4e: {  	v12 =	vld [tilespmem:s14+$0xFFFFFFD0]  }
0x4f: {  	v8 =	vadd.f32 v0, v8;
	v10 =	vadd.f32 v3, v10;
	s12 =	sadd.s32 $0x2, s12;
	v13 =	vld [tilespmem:s14+$0xFFFFFFE0]  }
0x50: {  	v11 =	vadd.f32 v5, v11;
	p0 =	slt.u32 s12, $0xC6;
	v0 =	vld [tilespmem:s14+$0xFFFFFF90];
	v6 =	vadd.f32 v6, v9  }
.Ltmp1:
0x51: {  	v8 =	vadd.f32 v1, v8;
	v10 =	vadd.f32 v2, v10;
	v3 =	vld [tilespmem:s14+$0xFFFFFFA0];
	(pc) =	sbr.rel @p0 .LBB2_5-.Ltmp1, $4  }
0x52: {  	v11 =	vadd.f32 v4, v11;
	v5 =	vld [tilespmem:s14+$0xFFFFFFB0];
	v9 =	vadd.f32 v7, v6  }
0x53: {  	v6 =	vld [tilespmem:s14+$0xFFFFFFC0];
	v1 =	vmov v12  }
0x54: {  	v4 =	vld [tilespmem:s14+$0xFFFFFFF0];
	v2 =	vmov v13  }
0x55: {  	v7 =	vld [tilespmem:s14+$0x0];
	s14 =	sadd.s32 $0x80, s14  }
0x56: {  	v0 =	vadd.f32 v0, v8  }
0x57: {  	v3 =	vadd.f32 v3, v10  }
0x58: {  	v5 =	vadd.f32 v5, v11;
	v0 =	vadd.f32 v1, v0  }
0x59: {  	v1 =	vadd.f32 v6, v9;
	v2 =	vadd.f32 v2, v3  }
0x5a: {  	v3 =	vadd.f32 v4, v5;
	v0 =	vmul.f32 $4.999999890e-03, v0  }
0x5b: {  	v1 =	vadd.f32 v7, v1;
	v2 =	vmul.f32 $4.999999890e-03, v2  }
0x5c: {  	[tilespmem:s1+$0x12C40] =	vst v0;
	v0 =	vmul.f32 $4.999999890e-03, v3  }
0x5d: {  	[tilespmem:s1+$0x12C50] =	vst v2;
	v1 =	vmul.f32 $4.999999890e-03, v1  }
0x5e: {  	[tilespmem:s1+$0x12C60] =	vst v0  }
0x5f: {  	s12 =	sadd.s32 $0x3E8, s0;
	[tilespmem:s1+$0x12C70] =	vst v1  }
0x60: {  	[tilespmem:s13], [sflag:$0x2] =	stream.indirect.gather [hbm4b:s3+s8], $0x40, s12, s8, $0xb8;
	[tilespmem:$0x14C00] =	vst v63  }
0x61: {  	s14 =	sadd.s32 $0x468, s0  }
0x62: {  	[tilespmem:s15], [sflag:$0x2] =	stream.indirect.gather [hbm4b:s3+s10], $0x40, s14, s10, $0xb8;
	[tilespmem:$0x14C00] =	vst v63  }
0x63: {  	_ =	swait.ge [sflag:s26], $0x3200  }
0x64: {  	[sflag:s26] =	ssyncset.done $0x0  }
0x65: {  	s14 =	simm.s32 $0xC800;
	[sflag:s26] =	ssyncadd.s32 $0xFFFFCE00  }
0x66: {  	v1 =	vld [tilespmem:s14+$0x40]  }
0x67: {  	v2 =	vld [tilespmem:s14+$0x50]  }
0x68: {  	v0 =	vld [tilespmem:s14+$0x0]  }
0x69: {  	v3 =	vld [tilespmem:s14+$0x10]  }
0x6a: {  	v5 =	vld [tilespmem:s14+$0x20]  }
0x6b: {  	v6 =	vld [tilespmem:s14+$0x30]  }
0x6c: {  	v8 =	vimm.f32 $0.0e+00;
	v4 =	vld [tilespmem:s14+$0x60]  }
0x6d: {  	v10 =	vimm.f32 $0.0e+00;
	v11 =	vimm.f32 $0.0e+00;
	v9 =	vimm.f32 $0.0e+00;
	s12 =	simm.s32 $0x0;
	v7 =	vld [tilespmem:s14+$0x70];
	s14 =	simm.s32 $0xC880  }
.LBB2_7:
0x6e: {  	v12 =	vld [tilespmem:s14+$0x40]  }
0x6f: {  	v8 =	vadd.f32 v0, v8;
	v10 =	vadd.f32 v3, v10;
	s12 =	sadd.s32 $0x2, s12;
	v13 =	vld [tilespmem:s14+$0x50]  }
0x70: {  	v11 =	vadd.f32 v5, v11;
	p0 =	slt.u32 s12, $0xC6;
	v0 =	vld [tilespmem:s14+$0x0];
	v6 =	vadd.f32 v6, v9  }
.Ltmp2:
0x71: {  	v8 =	vadd.f32 v1, v8;
	v10 =	vadd.f32 v2, v10;
	v3 =	vld [tilespmem:s14+$0x10];
	(pc) =	sbr.rel @p0 .LBB2_7-.Ltmp2, $4  }
0x72: {  	v11 =	vadd.f32 v4, v11;
	v5 =	vld [tilespmem:s14+$0x20];
	v9 =	vadd.f32 v7, v6  }
0x73: {  	v6 =	vld [tilespmem:s14+$0x30];
	v1 =	vmov v12  }
0x74: {  	v4 =	vld [tilespmem:s14+$0x60];
	v2 =	vmov v13  }
0x75: {  	v7 =	vld [tilespmem:s14+$0x70];
	s14 =	sadd.s32 $0x80, s14  }
0x76: {  	v0 =	vadd.f32 v0, v8  }
0x77: {  	v3 =	vadd.f32 v3, v10  }
0x78: {  	v5 =	vadd.f32 v5, v11;
	v0 =	vadd.f32 v1, v0  }
0x79: {  	v1 =	vadd.f32 v6, v9;
	v2 =	vadd.f32 v2, v3  }
0x7a: {  	v3 =	vadd.f32 v4, v5;
	v0 =	vmul.f32 $4.999999890e-03, v0  }
0x7b: {  	v1 =	vadd.f32 v7, v1;
	v2 =	vmul.f32 $4.999999890e-03, v2  }
0x7c: {  	[tilespmem:s1+$0x12C80] =	vst v0;
	v0 =	vmul.f32 $4.999999890e-03, v3  }
0x7d: {  	[tilespmem:s1+$0x12C90] =	vst v2;
	v1 =	vmul.f32 $4.999999890e-03, v1  }
0x7e: {  	[tilespmem:s1+$0x12CA0] =	vst v0  }
0x7f: {  	s12 =	sadd.s32 $0x4B0, s0;
	[tilespmem:s1+$0x12CB0] =	vst v1  }
0x80: {  	[tilespmem:s17], [sflag:$0x3] =	stream.indirect.gather [hbm4b:s3+s8], $0x40, s12, s8, $0xb8;
	[tilespmem:$0x14C00] =	vst v63  }
0x81: {  	s14 =	sadd.s32 $0x530, s0  }
0x82: {  	[tilespmem:s19], [sflag:$0x3] =	stream.indirect.gather [hbm4b:s3+s10], $0x40, s14, s10, $0xb8;
	[tilespmem:$0x14C00] =	vst v63  }
0x83: {  	_ =	swait.ge [sflag:s28], $0x3200  }
0x84: {  	[sflag:s28] =	ssyncset.done $0x0  }
0x85: {  	s14 =	simm.s32 $0xFA00;
	[sflag:s28] =	ssyncadd.s32 $0xFFFFCE00  }
0x86: {  	v1 =	vld [tilespmem:s14+$0x40]  }
0x87: {  	v2 =	vld [tilespmem:s14+$0x50]  }
0x88: {  	v0 =	vld [tilespmem:s14+$0x0]  }
0x89: {  	v3 =	vld [tilespmem:s14+$0x10]  }
0x8a: {  	v5 =	vld [tilespmem:s14+$0x20]  }
0x8b: {  	v6 =	vld [tilespmem:s14+$0x30]  }
0x8c: {  	v8 =	vimm.f32 $0.0e+00;
	v4 =	vld [tilespmem:s14+$0x60]  }
0x8d: {  	v10 =	vimm.f32 $0.0e+00;
	v11 =	vimm.f32 $0.0e+00;
	v9 =	vimm.f32 $0.0e+00;
	s12 =	simm.s32 $0x0;
	v7 =	vld [tilespmem:s14+$0x70];
	s14 =	simm.s32 $0xFA80  }
.LBB2_9:
0x8e: {  	v12 =	vld [tilespmem:s14+$0x40]  }
0x8f: {  	v8 =	vadd.f32 v0, v8;
	v10 =	vadd.f32 v3, v10;
	s12 =	sadd.s32 $0x2, s12;
	v13 =	vld [tilespmem:s14+$0x50]  }
0x90: {  	v11 =	vadd.f32 v5, v11;
	p0 =	slt.u32 s12, $0xC6;
	v0 =	vld [tilespmem:s14+$0x0];
	v6 =	vadd.f32 v6, v9  }
.Ltmp3:
0x91: {  	v8 =	vadd.f32 v1, v8;
	v10 =	vadd.f32 v2, v10;
	v3 =	vld [tilespmem:s14+$0x10];
	(pc) =	sbr.rel @p0 .LBB2_9-.Ltmp3, $4  }
0x92: {  	v11 =	vadd.f32 v4, v11;
	v5 =	vld [tilespmem:s14+$0x20];
	v9 =	vadd.f32 v7, v6  }
0x93: {  	v6 =	vld [tilespmem:s14+$0x30];
	v1 =	vmov v12  }
0x94: {  	v4 =	vld [tilespmem:s14+$0x60];
	v2 =	vmov v13  }
0x95: {  	v7 =	vld [tilespmem:s14+$0x70];
	s14 =	sadd.s32 $0x80, s14  }
0x96: {  	v0 =	vadd.f32 v0, v8  }
0x97: {  	v3 =	vadd.f32 v3, v10  }
0x98: {  	v5 =	vadd.f32 v5, v11;
	v0 =	vadd.f32 v1, v0  }
0x99: {  	v61 =	vadd.f32 v6, v9;
	v2 =	vadd.f32 v2, v3  }
0x9a: {  	v62 =	vadd.f32 v4, v5;
	v0 =	vmul.f32 $4.999999890e-03, v0  }
0x9b: {  	v1 =	vadd.f32 v7, v61;
	v2 =	vmul.f32 $4.999999890e-03, v2  }
0x9c: {  	s31 =	sadd.s32 $0x1, s31;
	v63 =	vmul.f32 $4.999999890e-03, v62;
	[tilespmem:s1+$0x12CC0] =	vst v0  }
0x9d: {  	p0 =	sne.s32 s31, $0x1F;
	[tilespmem:s1+$0x12CD0] =	vst v2;
	v1 =	vmul.f32 $4.999999890e-03, v1  }
.Ltmp4:
0x9e: {  	[tilespmem:s1+$0x12CE0] =	vst v63;
	(pc) =	sbr.rel @p0 .LBB2_2-.Ltmp4, $4  }
0x9f: {  	s12 =	sadd.s32 $0x578, s0;
	[tilespmem:s1+$0x12CF0] =	vst v1  }
0xa0: {  	[tilespmem:s21], [sflag:$0x4] =	stream.indirect.gather [hbm4b:s3+s8], $0x40, s12, s8, $0xb8;
	[tilespmem:$0x14C00] =	vst v63  }
0xa1: {  	s14 =	sadd.s32 $0x5F8, s0  }
0xa2: {  	[tilespmem:s23], [sflag:$0x4] =	stream.indirect.gather [hbm4b:s3+s10], $0x40, s14, s10, $0xb8;
	[tilespmem:$0x14C00] =	vst v63  }
0xa3: {  	_ =	swait.ge [sflag:s24], $0x3200  }
0xa4: {  	[sflag:s24] =	ssyncset.done $0x0  }
0xa5: {  	s1 =	simm.s32 $0x6440;
	[sflag:s24] =	ssyncadd.s32 $0xFFFFCE00  }
0xa6: {  	v1 =	vld [tilespmem:s1+$0x0]  }
0xa7: {  	v2 =	vld [tilespmem:s1+$0x10]  }
0xa8: {  	v0 =	vld [tilespmem:s1+$0xFFFFFFC0]  }
0xa9: {  	v3 =	vld [tilespmem:s1+$0xFFFFFFD0]  }
0xaa: {  	v5 =	vld [tilespmem:s1+$0xFFFFFFE0]  }
0xab: {  	v6 =	vld [tilespmem:s1+$0xFFFFFFF0]  }
0xac: {  	v8 =	vimm.f32 $0.0e+00;
	v4 =	vld [tilespmem:s1+$0x20]  }
0xad: {  	s0 =	simm.s32 $0x0;
	v10 =	vimm.f32 $0.0e+00;
	v11 =	vimm.f32 $0.0e+00;
	v9 =	vimm.f32 $0.0e+00;
	v7 =	vld [tilespmem:s1+$0x30];
	s1 =	simm.s32 $0x64C0  }
.LBB2_12:
0xae: {  	v12 =	vld [tilespmem:s1+$0x0]  }
0xaf: {  	v8 =	vadd.f32 v0, v8;
	v10 =	vadd.f32 v3, v10;
	s0 =	sadd.s32 $0x2, s0;
	v13 =	vld [tilespmem:s1+$0x10]  }
0xb0: {  	v11 =	vadd.f32 v5, v11;
	p0 =	slt.u32 s0, $0xC6;
	v0 =	vld [tilespmem:s1+$0xFFFFFFC0];
	v6 =	vadd.f32 v6, v9  }
.Ltmp5:
0xb1: {  	v8 =	vadd.f32 v1, v8;
	v10 =	vadd.f32 v2, v10;
	v3 =	vld [tilespmem:s1+$0xFFFFFFD0];
	(pc) =	sbr.rel @p0 .LBB2_12-.Ltmp5, $4  }
0xb2: {  	v11 =	vadd.f32 v4, v11;
	v5 =	vld [tilespmem:s1+$0xFFFFFFE0];
	v9 =	vadd.f32 v7, v6  }
0xb3: {  	v6 =	vld [tilespmem:s1+$0xFFFFFFF0];
	v1 =	vmov v12  }
0xb4: {  	v4 =	vld [tilespmem:s1+$0x20];
	v2 =	vmov v13  }
0xb5: {  	v7 =	vld [tilespmem:s1+$0x30];
	s1 =	sadd.s32 $0x80, s1  }
0xb6: {  	v0 =	vadd.f32 v0, v8  }
0xb7: {  	v3 =	vadd.f32 v3, v10  }
0xb8: {  	v5 =	vadd.f32 v5, v11;
	v0 =	vadd.f32 v1, v0  }
0xb9: {  	v1 =	vadd.f32 v6, v9;
	v2 =	vadd.f32 v2, v3  }
0xba: {  	v3 =	vadd.f32 v4, v5;
	v0 =	vmul.f32 $4.999999890e-03, v0  }
0xbb: {  	v1 =	vadd.f32 v7, v1;
	v2 =	vmul.f32 $4.999999890e-03, v2  }
0xbc: {  	[tilespmem:$0x14B00] =	vst v0;
	v0 =	vmul.f32 $4.999999890e-03, v3  }
0xbd: {  	[tilespmem:$0x14B10] =	vst v2;
	v1 =	vmul.f32 $4.999999890e-03, v1  }
0xbe: {  	[tilespmem:$0x14B20] =	vst v0  }
0xbf: {  	[tilespmem:$0x14B30] =	vst v1  }
0xc0: {  	_ =	swait.ge [sflag:s25], $0x3200  }
0xc1: {  	[sflag:s25] =	ssyncset.done $0x0  }
0xc2: {  	s1 =	simm.s32 $0x9670;
	[sflag:s25] =	ssyncadd.s32 $0xFFFFCE00  }
0xc3: {  	v1 =	vld [tilespmem:s1+$0xFFFFFFD0]  }
0xc4: {  	v2 =	vld [tilespmem:s1+$0xFFFFFFE0]  }
0xc5: {  	v0 =	vld [tilespmem:s1+$0xFFFFFF90]  }
0xc6: {  	v3 =	vld [tilespmem:s1+$0xFFFFFFA0]  }
0xc7: {  	v5 =	vld [tilespmem:s1+$0xFFFFFFB0]  }
0xc8: {  	v6 =	vld [tilespmem:s1+$0xFFFFFFC0]  }
0xc9: {  	v8 =	vimm.f32 $0.0e+00;
	v4 =	vld [tilespmem:s1+$0xFFFFFFF0]  }
0xca: {  	s0 =	simm.s32 $0x0;
	v10 =	vimm.f32 $0.0e+00;
	v11 =	vimm.f32 $0.0e+00;
	v9 =	vimm.f32 $0.0e+00;
	v7 =	vld [tilespmem:s1+$0x0];
	s1 =	simm.s32 $0x96F0  }
.LBB2_14:
0xcb: {  	v12 =	vld [tilespmem:s1+$0xFFFFFFD0]  }
0xcc: {  	v8 =	vadd.f32 v0, v8;
	v10 =	vadd.f32 v3, v10;
	s0 =	sadd.s32 $0x2, s0;
	v13 =	vld [tilespmem:s1+$0xFFFFFFE0]  }
0xcd: {  	v11 =	vadd.f32 v5, v11;
	p0 =	slt.u32 s0, $0xC6;
	v0 =	vld [tilespmem:s1+$0xFFFFFF90];
	v6 =	vadd.f32 v6, v9  }
.Ltmp6:
0xce: {  	v8 =	vadd.f32 v1, v8;
	v10 =	vadd.f32 v2, v10;
	v3 =	vld [tilespmem:s1+$0xFFFFFFA0];
	(pc) =	sbr.rel @p0 .LBB2_14-.Ltmp6, $4  }
0xcf: {  	v11 =	vadd.f32 v4, v11;
	v5 =	vld [tilespmem:s1+$0xFFFFFFB0];
	v9 =	vadd.f32 v7, v6  }
0xd0: {  	v6 =	vld [tilespmem:s1+$0xFFFFFFC0];
	v1 =	vmov v12  }
0xd1: {  	v4 =	vld [tilespmem:s1+$0xFFFFFFF0];
	v2 =	vmov v13  }
0xd2: {  	v7 =	vld [tilespmem:s1+$0x0];
	s1 =	sadd.s32 $0x80, s1  }
0xd3: {  	v0 =	vadd.f32 v0, v8  }
0xd4: {  	v3 =	vadd.f32 v3, v10  }
0xd5: {  	v5 =	vadd.f32 v5, v11;
	v0 =	vadd.f32 v1, v0  }
0xd6: {  	v1 =	vadd.f32 v6, v9;
	v2 =	vadd.f32 v2, v3  }
0xd7: {  	v3 =	vadd.f32 v4, v5;
	v0 =	vmul.f32 $4.999999890e-03, v0  }
0xd8: {  	v1 =	vadd.f32 v7, v1;
	v2 =	vmul.f32 $4.999999890e-03, v2  }
0xd9: {  	[tilespmem:$0x14B40] =	vst v0;
	v0 =	vmul.f32 $4.999999890e-03, v3  }
0xda: {  	[tilespmem:$0x14B50] =	vst v2;
	v1 =	vmul.f32 $4.999999890e-03, v1  }
0xdb: {  	[tilespmem:$0x14B60] =	vst v0  }
0xdc: {  	[tilespmem:$0x14B70] =	vst v1  }
0xdd: {  	_ =	swait.ge [sflag:s26], $0x3200  }
0xde: {  	[sflag:s26] =	ssyncset.done $0x0  }
0xdf: {  	s1 =	simm.s32 $0xC800;
	[sflag:s26] =	ssyncadd.s32 $0xFFFFCE00  }
0xe0: {  	v1 =	vld [tilespmem:s1+$0x40]  }
0xe1: {  	v2 =	vld [tilespmem:s1+$0x50]  }
0xe2: {  	v0 =	vld [tilespmem:s1+$0x0]  }
0xe3: {  	v3 =	vld [tilespmem:s1+$0x10]  }
0xe4: {  	v5 =	vld [tilespmem:s1+$0x20]  }
0xe5: {  	v6 =	vld [tilespmem:s1+$0x30]  }
0xe6: {  	v8 =	vimm.f32 $0.0e+00;
	v4 =	vld [tilespmem:s1+$0x60]  }
0xe7: {  	s0 =	simm.s32 $0x0;
	v10 =	vimm.f32 $0.0e+00;
	v11 =	vimm.f32 $0.0e+00;
	v9 =	vimm.f32 $0.0e+00;
	v7 =	vld [tilespmem:s1+$0x70];
	s1 =	simm.s32 $0xC880  }
.LBB2_16:
0xe8: {  	v12 =	vld [tilespmem:s1+$0x40]  }
0xe9: {  	v8 =	vadd.f32 v0, v8;
	v10 =	vadd.f32 v3, v10;
	s0 =	sadd.s32 $0x2, s0;
	v13 =	vld [tilespmem:s1+$0x50]  }
0xea: {  	v11 =	vadd.f32 v5, v11;
	p0 =	slt.u32 s0, $0xC6;
	v0 =	vld [tilespmem:s1+$0x0];
	v6 =	vadd.f32 v6, v9  }
.Ltmp7:
0xeb: {  	v8 =	vadd.f32 v1, v8;
	v10 =	vadd.f32 v2, v10;
	v3 =	vld [tilespmem:s1+$0x10];
	(pc) =	sbr.rel @p0 .LBB2_16-.Ltmp7, $4  }
0xec: {  	v11 =	vadd.f32 v4, v11;
	v5 =	vld [tilespmem:s1+$0x20];
	v9 =	vadd.f32 v7, v6  }
0xed: {  	v6 =	vld [tilespmem:s1+$0x30];
	v1 =	vmov v12  }
0xee: {  	v4 =	vld [tilespmem:s1+$0x60];
	v2 =	vmov v13  }
0xef: {  	v7 =	vld [tilespmem:s1+$0x70];
	s1 =	sadd.s32 $0x80, s1  }
0xf0: {  	v0 =	vadd.f32 v0, v8  }
0xf1: {  	v3 =	vadd.f32 v3, v10  }
0xf2: {  	v5 =	vadd.f32 v5, v11;
	v0 =	vadd.f32 v1, v0  }
0xf3: {  	v1 =	vadd.f32 v6, v9;
	v2 =	vadd.f32 v2, v3  }
0xf4: {  	v3 =	vadd.f32 v4, v5;
	v0 =	vmul.f32 $4.999999890e-03, v0  }
0xf5: {  	v1 =	vadd.f32 v7, v1;
	v2 =	vmul.f32 $4.999999890e-03, v2  }
0xf6: {  	[tilespmem:$0x14B80] =	vst v0;
	v0 =	vmul.f32 $4.999999890e-03, v3  }
0xf7: {  	[tilespmem:$0x14B90] =	vst v2;
	v1 =	vmul.f32 $4.999999890e-03, v1  }
0xf8: {  	[tilespmem:$0x14BA0] =	vst v0  }
0xf9: {  	[tilespmem:$0x14BB0] =	vst v1  }
0xfa: {  	_ =	swait.ge [sflag:s28], $0x3200  }
0xfb: {  	[sflag:s28] =	ssyncset.done $0x0  }
0xfc: {  	s1 =	simm.s32 $0xFA00;
	[sflag:s28] =	ssyncadd.s32 $0xFFFFCE00  }
0xfd: {  	v1 =	vld [tilespmem:s1+$0x40]  }
0xfe: {  	v2 =	vld [tilespmem:s1+$0x50]  }
0xff: {  	v0 =	vld [tilespmem:s1+$0x0]  }
0x100: {  	v3 =	vld [tilespmem:s1+$0x10]  }
0x101: {  	v5 =	vld [tilespmem:s1+$0x20]  }
0x102: {  	v6 =	vld [tilespmem:s1+$0x30]  }
0x103: {  	v8 =	vimm.f32 $0.0e+00;
	v4 =	vld [tilespmem:s1+$0x60]  }
0x104: {  	s0 =	simm.s32 $0x0;
	v10 =	vimm.f32 $0.0e+00;
	v11 =	vimm.f32 $0.0e+00;
	v9 =	vimm.f32 $0.0e+00;
	v7 =	vld [tilespmem:s1+$0x70];
	s1 =	simm.s32 $0xFA80  }
.LBB2_18:
0x105: {  	v12 =	vld [tilespmem:s1+$0x40]  }
0x106: {  	v8 =	vadd.f32 v0, v8;
	v10 =	vadd.f32 v3, v10;
	s0 =	sadd.s32 $0x2, s0;
	v13 =	vld [tilespmem:s1+$0x50]  }
0x107: {  	v11 =	vadd.f32 v5, v11;
	p0 =	slt.u32 s0, $0xC6;
	v0 =	vld [tilespmem:s1+$0x0];
	v6 =	vadd.f32 v6, v9  }
.Ltmp8:
0x108: {  	v8 =	vadd.f32 v1, v8;
	v10 =	vadd.f32 v2, v10;
	v3 =	vld [tilespmem:s1+$0x10];
	(pc) =	sbr.rel @p0 .LBB2_18-.Ltmp8, $4  }
0x109: {  	v11 =	vadd.f32 v4, v11;
	v5 =	vld [tilespmem:s1+$0x20];
	v9 =	vadd.f32 v7, v6  }
0x10a: {  	v6 =	vld [tilespmem:s1+$0x30];
	v1 =	vmov v12  }
0x10b: {  	v4 =	vld [tilespmem:s1+$0x60];
	v2 =	vmov v13  }
0x10c: {  	v7 =	vld [tilespmem:s1+$0x70];
	s1 =	sadd.s32 $0x80, s1  }
0x10d: {  	v0 =	vadd.f32 v0, v8  }
0x10e: {  	v3 =	vadd.f32 v3, v10  }
0x10f: {  	v5 =	vadd.f32 v5, v11;
	v0 =	vadd.f32 v1, v0  }
0x110: {  	v61 =	vadd.f32 v6, v9;
	v2 =	vadd.f32 v2, v3  }
0x111: {  	v62 =	vadd.f32 v4, v5;
	v0 =	vmul.f32 $4.999999890e-03, v0  }
0x112: {  	v1 =	vadd.f32 v7, v61;
	v2 =	vmul.f32 $4.999999890e-03, v2  }
0x113: {  	v63 =	vmul.f32 $4.999999890e-03, v62;
	[tilespmem:$0x14BC0] =	vst v0  }
0x114: {  	s30 =	sadd.s32 $0x1, s30;
	[tilespmem:$0x14BD0] =	vst v2;
	v1 =	vmul.f32 $4.999999890e-03, v1  }
0x115: {  	p0 =	sne.s32 s30, s6;
	[tilespmem:$0x14BE0] =	vst v63  }
.Ltmp9:
0x116: {  	[tilespmem:$0x14BF0] =	vst v1;
	(pc) =	sbr.rel @p0 .LBB2_1-.Ltmp9, $4  }
0x117: {  	[hbm4b:s5+s2] =	stream.linear.scatter [tilespmem:s29], [sflag:$0x5], $0x2000, $0x38;
	[tilespmem:$0x14C00] =	vst v63  }
0x118: {  	_ =	swait.ge [sflag:s7], $0x2000  }
0x119: {  	[sflag:s7] =	ssyncset.done $0x0  }
0x11a: {  	[sflag:s7] =	ssyncadd.s32 $0xFFFFE000  }
0x11b: {  	_ =	sfence.sel $0x180000  }
0x11c: {  	[bflag:$0x0] =	sbarrier.arrive $0xFFFF  }
0x11d: {  	_ =	strace $0x90000047  }
0x11e: {  	s0 =	stileid.u32;
	[bflag:$0x2] =	sbarrier.arrive $0xFFFF  }
0x11f: {  	p0 =	sne.s32 s0, $0x0;
	s0 =	rddreg [dreg:$0x1]  }
0x120: {  	s0 =	sadd.s32 @!p0 $0x100000, s0  }
0x121: {  	[sflag:s0] =	ssyncadd.tile.s32 @!p0 $0x1;
	_ =	shalt  }
.Lfunc_end2:
_tile_overlayer_lowered:
.L_overlay_start_2:
0x122: {  	(tag) =	ssettag $0x2  }
0x123: {  	s0 =	rddreg [dreg:$0x0];
	s2 =	stileid.u32  }
0x124: {  	s1 =	rddreg [dreg:$0x1];
	p0 =	sne.s32 s2, $0x0  }
0x125: {  	s3 =	rddreg [dreg:$0x2];
	[bflag:$0x3] =	sbarrier.arrive $0xFFFF;
	s2 =	simm.s32 @!p0 $0x1C05  }
0x126: {  	[timem:s3], [sflag:s2] =	dma.local @!p0 [hbm:s0], s1  }
0x127: {  	s0 =	simm.s32 @!p0 $0x5  }
0x128: {  	_ =	swait.ge @!p0 [sflag:s0], s1  }
0x129: {  	s1 =	ssub.s32 @!p0 $0x0, s1;
	[sflag:s0] =	ssyncset.done @!p0 $0x0  }
0x12a: {  	[sflag:s0] =	ssyncadd.s32 @!p0 s1  }
0x12b: {  	[bflag:$0x3] =	sbarrier.arrive $0xFFFF  }
0x12c: {  	_ =	shalt  }

</sc_bundles>
